<compile_context>
chip_gen: v7x
topology: tpu7x:2x2x1
jax: 0.10.2.dev20260603
libtpu: 0.0.44.dev20260713+nightly
codegen_flags: <defaults>
</compile_context>

<pallas_src>
import jax
import jax.numpy as jnp
from jax import lax
from jax.experimental import pallas as pl
from jax.experimental.pallas import tpu as pltpu
from jax.experimental.pallas import tpu_sc as plsc

_NC = 2
_NS = 16
_NW = _NC * _NS
_CH = 128
_NB = 4
_NCHUNK = 2


def kernel(x, W):
    batch, fields = x.shape
    n = batch * fields
    d = W.shape[1]
    idx = x.reshape(n)
    Wp = jnp.pad(W, ((0, 0), (0, 128 - d)))
    nc = n // _NCHUNK
    b_per_w = nc // _NW
    ng = b_per_w // _CH
    mesh = plsc.VectorSubcoreMesh(
        core_axis_name="c", subcore_axis_name="s", num_cores=_NC
    )

    @pl.kernel(
        out_type=jax.ShapeDtypeStruct((nc, 128), W.dtype),
        mesh=mesh,
        scratch_types=[
            pltpu.VMEM((b_per_w,), jnp.int32),
            pltpu.VMEM((_NB * _CH, 128), W.dtype),
            pltpu.SemaphoreType.DMA((_NB,)),
            pltpu.SemaphoreType.DMA((_NB,)),
        ],
    )
    def gather_kernel(w_hbm, i_hbm, o_hbm, idx_v, bufs, gsem, wsem):
        wid = lax.axis_index("s") * _NC + lax.axis_index("c")
        base = wid * b_per_w
        pltpu.sync_copy(i_hbm.at[pl.ds(base, b_per_w)], idx_v)

        def start(g, s):
            pltpu.async_copy(
                w_hbm.at[idx_v.at[pl.ds(g * _CH, _CH)]],
                bufs.at[pl.ds(s * _CH, _CH)],
                gsem.at[s],
            )

        def wait_gather(s):
            pltpu.make_async_copy(
                w_hbm.at[pl.ds(0, _CH)],
                bufs.at[pl.ds(s * _CH, _CH)],
                gsem.at[s],
            ).wait()

        def start_write(g, s):
            pltpu.async_copy(
                bufs.at[pl.ds(s * _CH, _CH)],
                o_hbm.at[pl.ds(base + g * _CH, _CH)],
                wsem.at[s],
            )

        def wait_write(s):
            pltpu.make_async_copy(
                bufs.at[pl.ds(s * _CH, _CH)],
                o_hbm.at[pl.ds(0, _CH)],
                wsem.at[s],
            ).wait()

        for s in range(_NB):
            start(s, s)

        @pl.loop(0, ng, step=_NB)
        def _(g):
            for s in range(_NB):
                wait_gather(s)
                start_write(g + s, s)

                @pl.when(g + s + _NB < ng)
                def _():
                    wait_write(s)
                    start(g + s + _NB, s)

        for s in range(_NB):
            wait_write(s)

    parts = [
        gather_kernel(Wp, lax.dynamic_slice_in_dim(idx, k * nc, nc))[:, :d]
        for k in range(_NCHUNK)
    ]
    out = jnp.concatenate(parts, axis=0)
    return out.reshape(batch, fields, d)

# --- scband reference (transcript-rebuilt; emitter-appended) ---
"""Pipeline reference for scband-channel-embedding-15083925143917 (READ-ONLY COPY).

The authoritative reference and input builder live on the scoring server;
editing this copy changes nothing except your own understanding.
"""

import jax, jax.numpy as jnp
import numpy as np
import math

C_IN = 100000
D_MODEL = 64
BATCH = 16384
FIELDS = 26

def _sinusoidal_table(c_in, d_model):
    position = np.arange(0, c_in, dtype=np.float32)[:, None]
    div_term = np.exp(np.arange(0, d_model, 2, dtype=np.float32) * -(math.log(10000.0) / d_model))
    w = np.zeros((c_in, d_model), dtype=np.float32)
    w[:, 0::2] = np.sin(position * div_term)
    w[:, 1::2] = np.cos(position * div_term)
    return jnp.asarray(w)

def setup_inputs(seed: int = 0) -> dict:
    key = jax.random.key(seed)
    x = jax.random.randint(key, (BATCH, FIELDS), 0, C_IN, dtype=jnp.int32)
    W = _sinusoidal_table(C_IN, D_MODEL)
    return {"x": x, "W": W}

def reference(x, W):
    # channel_embedding.forward: nn.Embedding lookup with learned (sinusoid-initialized) table
    return jnp.take(W, x, axis=0)

if __name__ == "__main__":
    import jax
    _d = setup_inputs()
    print(jax.jit(kernel)(*tuple(_d.values())))

</pallas_src>

<mosaic_0001>
#map = affine_map<(d0, d1) -> (0, 0)>
#map1 = affine_map<(d0, d1) -> (0)>
module attributes {stable_mosaic.version = 14 : i64} {
  func.func @gather_kernel(%arg0: i32, %arg1: i32, %arg2: memref<100000x128xf32, #tpu.memory_space<hbm>>, %arg3: memref<212992xi32, #tpu.memory_space<hbm>>, %arg4: memref<212992x128xf32, #tpu.memory_space<hbm>>, %arg5: memref<6656xi32, #tpu.memory_space<vmem>>, %arg6: memref<512x128xf32, #tpu.memory_space<vmem>>, %arg7: memref<4x!tpu.dma_semaphore, #tpu.memory_space<semaphore_mem>>, %arg8: memref<4x!tpu.dma_semaphore, #tpu.memory_space<semaphore_mem>>) attributes {dimension_semantics = [#tpu.dimension_semantics<core_parallel>, #tpu.dimension_semantics<subcore_parallel>], iteration_bounds = array<i64: 2, 16>, scalar_prefetch = 0 : i64, scratch_operands = 4 : i64, tpu.core_type = #tpu.core_type<sc_vector_subcore>, window_params = [{transform_indices = #map}, {transform_indices = #map1}, {transform_indices = #map}]} {
    %mul3A = arith.constant 2 : i32
    %mul3A_0 = arith.muli %arg1, %mul3A : i32
    %add3A = arith.addi %mul3A_0, %arg0 : i32
    %mul3A_1 = arith.constant 6656 : i32
    %mul3A_2 = arith.muli %add3A, %mul3A_1 : i32
    "tpu.region"() ({
      %run_scoped3A = tpu.sem_alloc : memref<!tpu.dma_semaphore, #tpu.memory_space<semaphore_mem>>
      %dma_start3A_109 = tpu.memref_slice %arg3[%mul3A_2] : memref<212992xi32, #tpu.memory_space<hbm>> -> memref<6656xi32, #tpu.memory_space<hbm>>
      %dma_start3A_110 = tpu.memref_slice %arg3[%mul3A_2] : memref<212992xi32, #tpu.memory_space<hbm>> -> memref<6656xi32, #tpu.memory_space<hbm>>
      tpu.enqueue_dma source(%dma_start3A_110 : memref<6656xi32, #tpu.memory_space<hbm>>) target(%arg5 : memref<6656xi32, #tpu.memory_space<vmem>>) target_semaphore(%run_scoped3A : memref<!tpu.dma_semaphore, #tpu.memory_space<semaphore_mem>>)
      %dma_wait3A_111 = tpu.memref_slice %arg3[%mul3A_2] : memref<212992xi32, #tpu.memory_space<hbm>> -> memref<6656xi32, #tpu.memory_space<hbm>>
      %dma_wait3A_112 = tpu.memref_slice %arg3[%mul3A_2] : memref<212992xi32, #tpu.memory_space<hbm>> -> memref<6656xi32, #tpu.memory_space<hbm>>
      tpu.wait_dma2 semaphore(%run_scoped3A : memref<!tpu.dma_semaphore, #tpu.memory_space<semaphore_mem>>) src(%dma_wait3A_112 : memref<6656xi32, #tpu.memory_space<hbm>>) dst(%arg5 : memref<6656xi32, #tpu.memory_space<vmem>>)
      tpu.yield
    }) : () -> ()
    %dma_start3A = arith.constant 0 : i32
    %dma_start3A_3 = arith.constant 0 : i32
    %dma_start3A_4 = arith.constant 0 : i32
    %dma_start3A_5 = tpu.memref_slice %arg6[%dma_start3A_3, %dma_start3A_4] : memref<512x128xf32, #tpu.memory_space<vmem>> -> memref<128x128xf32, #tpu.memory_space<vmem>>
    %dma_start3A_6 = arith.constant 0 : i32
    %dma_start3A_7 = tpu.memref_slice %arg5[%dma_start3A_6] : memref<6656xi32, #tpu.memory_space<vmem>> -> memref<128xi32, #tpu.memory_space<vmem>>
    %dma_start3A_8 = arith.constant 0 : i32
    %dma_start3A_9 = arith.constant 0 : i32
    %dma_start3A_10 = tpu.memref_slice %arg2[%dma_start3A_8, %dma_start3A_9] : memref<100000x128xf32, #tpu.memory_space<hbm>> -> memref<100000x128xf32, #tpu.memory_space<hbm>>
    %dma_start3A_11 = tpu.memref_slice %arg7[%dma_start3A] : memref<4x!tpu.dma_semaphore, #tpu.memory_space<semaphore_mem>> -> memref<1x!tpu.dma_semaphore, #tpu.memory_space<semaphore_mem>>
    %dma_start3A_12 = tpu.memref_squeeze %dma_start3A_11 : memref<1x!tpu.dma_semaphore, #tpu.memory_space<semaphore_mem>> -> memref<!tpu.dma_semaphore, #tpu.memory_space<semaphore_mem>>
    tpu.enqueue_indirect_dma source(%dma_start3A_10 : memref<100000x128xf32, #tpu.memory_space<hbm>>) target(%dma_start3A_5 : memref<128x128xf32, #tpu.memory_space<vmem>>) offsets(%dma_start3A_7 : memref<128xi32, #tpu.memory_space<vmem>>) semaphore(%dma_start3A_12 : memref<!tpu.dma_semaphore, #tpu.memory_space<semaphore_mem>>)
    %dma_start3A_13 = arith.constant 1 : i32
    %dma_start3A_14 = arith.constant 128 : i32
    %dma_start3A_15 = arith.constant 0 : i32
    %dma_start3A_16 = tpu.memref_slice %arg6[%dma_start3A_14, %dma_start3A_15] : memref<512x128xf32, #tpu.memory_space<vmem>> -> memref<128x128xf32, #tpu.memory_space<vmem>>
    %dma_start3A_17 = arith.constant 128 : i32
    %dma_start3A_18 = tpu.memref_slice %arg5[%dma_start3A_17] : memref<6656xi32, #tpu.memory_space<vmem>> -> memref<128xi32, #tpu.memory_space<vmem>>
    %dma_start3A_19 = arith.constant 0 : i32
    %dma_start3A_20 = arith.constant 0 : i32
    %dma_start3A_21 = tpu.memref_slice %arg2[%dma_start3A_19, %dma_start3A_20] : memref<100000x128xf32, #tpu.memory_space<hbm>> -> memref<100000x128xf32, #tpu.memory_space<hbm>>
    %dma_start3A_22 = tpu.memref_slice %arg7[%dma_start3A_13] : memref<4x!tpu.dma_semaphore, #tpu.memory_space<semaphore_mem>> -> memref<1x!tpu.dma_semaphore, #tpu.memory_space<semaphore_mem>>
    %dma_start3A_23 = tpu.memref_squeeze %dma_start3A_22 : memref<1x!tpu.dma_semaphore, #tpu.memory_space<semaphore_mem>> -> memref<!tpu.dma_semaphore, #tpu.memory_space<semaphore_mem>>
    tpu.enqueue_indirect_dma source(%dma_start3A_21 : memref<100000x128xf32, #tpu.memory_space<hbm>>) target(%dma_start3A_16 : memref<128x128xf32, #tpu.memory_space<vmem>>) offsets(%dma_start3A_18 : memref<128xi32, #tpu.memory_space<vmem>>) semaphore(%dma_start3A_23 : memref<!tpu.dma_semaphore, #tpu.memory_space<semaphore_mem>>)
    %dma_start3A_24 = arith.constant 2 : i32
    %dma_start3A_25 = arith.constant 256 : i32
    %dma_start3A_26 = arith.constant 0 : i32
    %dma_start3A_27 = tpu.memref_slice %arg6[%dma_start3A_25, %dma_start3A_26] : memref<512x128xf32, #tpu.memory_space<vmem>> -> memref<128x128xf32, #tpu.memory_space<vmem>>
    %dma_start3A_28 = arith.constant 256 : i32
    %dma_start3A_29 = tpu.memref_slice %arg5[%dma_start3A_28] : memref<6656xi32, #tpu.memory_space<vmem>> -> memref<128xi32, #tpu.memory_space<vmem>>
    %dma_start3A_30 = arith.constant 0 : i32
    %dma_start3A_31 = arith.constant 0 : i32
    %dma_start3A_32 = tpu.memref_slice %arg2[%dma_start3A_30, %dma_start3A_31] : memref<100000x128xf32, #tpu.memory_space<hbm>> -> memref<100000x128xf32, #tpu.memory_space<hbm>>
    %dma_start3A_33 = tpu.memref_slice %arg7[%dma_start3A_24] : memref<4x!tpu.dma_semaphore, #tpu.memory_space<semaphore_mem>> -> memref<1x!tpu.dma_semaphore, #tpu.memory_space<semaphore_mem>>
    %dma_start3A_34 = tpu.memref_squeeze %dma_start3A_33 : memref<1x!tpu.dma_semaphore, #tpu.memory_space<semaphore_mem>> -> memref<!tpu.dma_semaphore, #tpu.memory_space<semaphore_mem>>
    tpu.enqueue_indirect_dma source(%dma_start3A_32 : memref<100000x128xf32, #tpu.memory_space<hbm>>) target(%dma_start3A_27 : memref<128x128xf32, #tpu.memory_space<vmem>>) offsets(%dma_start3A_29 : memref<128xi32, #tpu.memory_space<vmem>>) semaphore(%dma_start3A_34 : memref<!tpu.dma_semaphore, #tpu.memory_space<semaphore_mem>>)
    %dma_start3A_35 = arith.constant 3 : i32
    %dma_start3A_36 = arith.constant 384 : i32
    %dma_start3A_37 = arith.constant 0 : i32
    %dma_start3A_38 = tpu.memref_slice %arg6[%dma_start3A_36, %dma_start3A_37] : memref<512x128xf32, #tpu.memory_space<vmem>> -> memref<128x128xf32, #tpu.memory_space<vmem>>
    %dma_start3A_39 = arith.constant 384 : i32
    %dma_start3A_40 = tpu.memref_slice %arg5[%dma_start3A_39] : memref<6656xi32, #tpu.memory_space<vmem>> -> memref<128xi32, #tpu.memory_space<vmem>>
    %dma_start3A_41 = arith.constant 0 : i32
    %dma_start3A_42 = arith.constant 0 : i32
    %dma_start3A_43 = tpu.memref_slice %arg2[%dma_start3A_41, %dma_start3A_42] : memref<100000x128xf32, #tpu.memory_space<hbm>> -> memref<100000x128xf32, #tpu.memory_space<hbm>>
    %dma_start3A_44 = tpu.memref_slice %arg7[%dma_start3A_35] : memref<4x!tpu.dma_semaphore, #tpu.memory_space<semaphore_mem>> -> memref<1x!tpu.dma_semaphore, #tpu.memory_space<semaphore_mem>>
    %dma_start3A_45 = tpu.memref_squeeze %dma_start3A_44 : memref<1x!tpu.dma_semaphore, #tpu.memory_space<semaphore_mem>> -> memref<!tpu.dma_semaphore, #tpu.memory_space<semaphore_mem>>
    tpu.enqueue_indirect_dma source(%dma_start3A_43 : memref<100000x128xf32, #tpu.memory_space<hbm>>) target(%dma_start3A_38 : memref<128x128xf32, #tpu.memory_space<vmem>>) offsets(%dma_start3A_40 : memref<128xi32, #tpu.memory_space<vmem>>) semaphore(%dma_start3A_45 : memref<!tpu.dma_semaphore, #tpu.memory_space<semaphore_mem>>)
    %scan3A = arith.constant 0 : i32
    %scan3A_46 = arith.constant 13 : i32
    %scan3A_47 = arith.addi %scan3A, %scan3A_46 : i32
    %scan3A_48 = arith.constant 1 : i32
    scf.for %scan3A_109 = %scan3A to %scan3A_47 step %scan3A_48  : i32 {
      %mul3A_110 = arith.constant 4 : i32
      %mul3A_111 = arith.muli %scan3A_109, %mul3A_110 : i32
      %add3A_112 = arith.constant 0 : i32
      %add3A_113 = arith.addi %add3A_112, %mul3A_111 : i32
      %dma_wait3A_114 = arith.constant 0 : i32
      %dma_wait3A_115 = arith.constant 0 : i32
      %dma_wait3A_116 = arith.constant 0 : i32
      %dma_wait3A_117 = tpu.memref_slice %arg6[%dma_wait3A_115, %dma_wait3A_116] : memref<512x128xf32, #tpu.memory_space<vmem>> -> memref<128x128xf32, #tpu.memory_space<vmem>>
      %dma_wait3A_118 = arith.constant 0 : i32
      %dma_wait3A_119 = arith.constant 0 : i32
      %dma_wait3A_120 = tpu.memref_slice %arg2[%dma_wait3A_118, %dma_wait3A_119] : memref<100000x128xf32, #tpu.memory_space<hbm>> -> memref<128x128xf32, #tpu.memory_space<hbm>>
      %dma_wait3A_121 = tpu.memref_slice %arg7[%dma_wait3A_114] : memref<4x!tpu.dma_semaphore, #tpu.memory_space<semaphore_mem>> -> memref<1x!tpu.dma_semaphore, #tpu.memory_space<semaphore_mem>>
      %dma_wait3A_122 = tpu.memref_squeeze %dma_wait3A_121 : memref<1x!tpu.dma_semaphore, #tpu.memory_space<semaphore_mem>> -> memref<!tpu.dma_semaphore, #tpu.memory_space<semaphore_mem>>
      %dma_wait3A_123 = arith.constant 0 : i32
      %dma_wait3A_124 = arith.constant 0 : i32
      %dma_wait3A_125 = tpu.memref_slice %arg6[%dma_wait3A_123, %dma_wait3A_124] : memref<512x128xf32, #tpu.memory_space<vmem>> -> memref<128x128xf32, #tpu.memory_space<vmem>>
      %dma_wait3A_126 = arith.constant 0 : i32
      %dma_wait3A_127 = arith.constant 0 : i32
      %dma_wait3A_128 = tpu.memref_slice %arg2[%dma_wait3A_126, %dma_wait3A_127] : memref<100000x128xf32, #tpu.memory_space<hbm>> -> memref<128x128xf32, #tpu.memory_space<hbm>>
      tpu.wait_dma2 semaphore(%dma_wait3A_122 : memref<!tpu.dma_semaphore, #tpu.memory_space<semaphore_mem>>) src(%dma_wait3A_128 : memref<128x128xf32, #tpu.memory_space<hbm>>) dst(%dma_wait3A_125 : memref<128x128xf32, #tpu.memory_space<vmem>>)
      %add3A_129 = arith.constant 0 : i32
      %add3A_130 = arith.addi %add3A_113, %add3A_129 : i32
      %mul3A_131 = arith.constant 128 : i32
      %mul3A_132 = arith.muli %add3A_130, %mul3A_131 : i32
      %add3A_133 = arith.addi %mul3A_2, %mul3A_132 : i32
      %dma_start3A_134 = arith.constant 0 : i32
      %dma_start3A_135 = arith.constant 0 : i32
      %dma_start3A_136 = arith.constant 0 : i32
      %dma_start3A_137 = tpu.memref_slice %arg6[%dma_start3A_135, %dma_start3A_136] : memref<512x128xf32, #tpu.memory_space<vmem>> -> memref<128x128xf32, #tpu.memory_space<vmem>>
      %dma_start3A_138 = arith.constant 0 : i32
      %dma_start3A_139 = tpu.memref_slice %arg4[%add3A_133, %dma_start3A_138] : memref<212992x128xf32, #tpu.memory_space<hbm>> -> memref<128x128xf32, #tpu.memory_space<hbm>>
      %dma_start3A_140 = tpu.memref_slice %arg8[%dma_start3A_134] : memref<4x!tpu.dma_semaphore, #tpu.memory_space<semaphore_mem>> -> memref<1x!tpu.dma_semaphore, #tpu.memory_space<semaphore_mem>>
      %dma_start3A_141 = tpu.memref_squeeze %dma_start3A_140 : memref<1x!tpu.dma_semaphore, #tpu.memory_space<semaphore_mem>> -> memref<!tpu.dma_semaphore, #tpu.memory_space<semaphore_mem>>
      %dma_start3A_142 = arith.constant 0 : i32
      %dma_start3A_143 = tpu.memref_slice %arg4[%add3A_133, %dma_start3A_142] : memref<212992x128xf32, #tpu.memory_space<hbm>> -> memref<128x128xf32, #tpu.memory_space<hbm>>
      %dma_start3A_144 = arith.constant 0 : i32
      %dma_start3A_145 = arith.constant 0 : i32
      %dma_start3A_146 = tpu.memref_slice %arg6[%dma_start3A_144, %dma_start3A_145] : memref<512x128xf32, #tpu.memory_space<vmem>> -> memref<128x128xf32, #tpu.memory_space<vmem>>
      tpu.enqueue_dma source(%dma_start3A_146 : memref<128x128xf32, #tpu.memory_space<vmem>>) target(%dma_start3A_143 : memref<128x128xf32, #tpu.memory_space<hbm>>) target_semaphore(%dma_start3A_141 : memref<!tpu.dma_semaphore, #tpu.memory_space<semaphore_mem>>)
      %add3A_147 = arith.constant 0 : i32
      %add3A_148 = arith.addi %add3A_113, %add3A_147 : i32
      %add3A_149 = arith.constant 4 : i32
      %add3A_150 = arith.addi %add3A_148, %add3A_149 : i32
      %lt3A = arith.constant 52 : i32
      %lt3A_151 = arith.cmpi slt, %add3A_150, %lt3A : i32
      %convert_element_type3A = arith.extui %lt3A_151 : i1 to i32
      %cond3A = arith.constant 0 : i32
      %cond3A_152 = arith.cmpi ne, %convert_element_type3A, %cond3A : i32
      scf.if %cond3A_152 {
        %dma_wait3A_279 = arith.constant 0 : i32
        %dma_wait3A_280 = arith.constant 0 : i32
        %dma_wait3A_281 = arith.constant 0 : i32
        %dma_wait3A_282 = tpu.memref_slice %arg6[%dma_wait3A_280, %dma_wait3A_281] : memref<512x128xf32, #tpu.memory_space<vmem>> -> memref<128x128xf32, #tpu.memory_space<vmem>>
        %dma_wait3A_283 = arith.constant 0 : i32
        %dma_wait3A_284 = arith.constant 0 : i32
        %dma_wait3A_285 = tpu.memref_slice %arg4[%dma_wait3A_283, %dma_wait3A_284] : memref<212992x128xf32, #tpu.memory_space<hbm>> -> memref<128x128xf32, #tpu.memory_space<hbm>>
        %dma_wait3A_286 = tpu.memref_slice %arg8[%dma_wait3A_279] : memref<4x!tpu.dma_semaphore, #tpu.memory_space<semaphore_mem>> -> memref<1x!tpu.dma_semaphore, #tpu.memory_space<semaphore_mem>>
        %dma_wait3A_287 = tpu.memref_squeeze %dma_wait3A_286 : memref<1x!tpu.dma_semaphore, #tpu.memory_space<semaphore_mem>> -> memref<!tpu.dma_semaphore, #tpu.memory_space<semaphore_mem>>
        %dma_wait3A_288 = arith.constant 0 : i32
        %dma_wait3A_289 = arith.constant 0 : i32
        %dma_wait3A_290 = tpu.memref_slice %arg4[%dma_wait3A_288, %dma_wait3A_289] : memref<212992x128xf32, #tpu.memory_space<hbm>> -> memref<128x128xf32, #tpu.memory_space<hbm>>
        %dma_wait3A_291 = arith.constant 0 : i32
        %dma_wait3A_292 = arith.constant 0 : i32
        %dma_wait3A_293 = tpu.memref_slice %arg6[%dma_wait3A_291, %dma_wait3A_292] : memref<512x128xf32, #tpu.memory_space<vmem>> -> memref<128x128xf32, #tpu.memory_space<vmem>>
        tpu.wait_dma2 semaphore(%dma_wait3A_287 : memref<!tpu.dma_semaphore, #tpu.memory_space<semaphore_mem>>) src(%dma_wait3A_293 : memref<128x128xf32, #tpu.memory_space<vmem>>) dst(%dma_wait3A_290 : memref<128x128xf32, #tpu.memory_space<hbm>>)
        %add3A_294 = arith.constant 0 : i32
        %add3A_295 = arith.addi %add3A_113, %add3A_294 : i32
        %add3A_296 = arith.constant 4 : i32
        %add3A_297 = arith.addi %add3A_295, %add3A_296 : i32
        %mul3A_298 = arith.constant 128 : i32
        %mul3A_299 = arith.muli %add3A_297, %mul3A_298 : i32
        %dma_start3A_300 = arith.constant 0 : i32
        %dma_start3A_301 = arith.constant 0 : i32
        %dma_start3A_302 = arith.constant 0 : i32
        %dma_start3A_303 = tpu.memref_slice %arg6[%dma_start3A_301, %dma_start3A_302] : memref<512x128xf32, #tpu.memory_space<vmem>> -> memref<128x128xf32, #tpu.memory_space<vmem>>
        %dma_start3A_304 = tpu.memref_slice %arg5[%mul3A_299] : memref<6656xi32, #tpu.memory_space<vmem>> -> memref<128xi32, #tpu.memory_space<vmem>>
        %dma_start3A_305 = arith.constant 0 : i32
        %dma_start3A_306 = arith.constant 0 : i32
        %dma_start3A_307 = tpu.memref_slice %arg2[%dma_start3A_305, %dma_start3A_306] : memref<100000x128xf32, #tpu.memory_space<hbm>> -> memref<100000x128xf32, #tpu.memory_space<hbm>>
        %dma_start3A_308 = tpu.memref_slice %arg7[%dma_start3A_300] : memref<4x!tpu.dma_semaphore, #tpu.memory_space<semaphore_mem>> -> memref<1x!tpu.dma_semaphore, #tpu.memory_space<semaphore_mem>>
        %dma_start3A_309 = tpu.memref_squeeze %dma_start3A_308 : memref<1x!tpu.dma_semaphore, #tpu.memory_space<semaphore_mem>> -> memref<!tpu.dma_semaphore, #tpu.memory_space<semaphore_mem>>
        tpu.enqueue_indirect_dma source(%dma_start3A_307 : memref<100000x128xf32, #tpu.memory_space<hbm>>) target(%dma_start3A_303 : memref<128x128xf32, #tpu.memory_space<vmem>>) offsets(%dma_start3A_304 : memref<128xi32, #tpu.memory_space<vmem>>) semaphore(%dma_start3A_309 : memref<!tpu.dma_semaphore, #tpu.memory_space<semaphore_mem>>)
      } else {
      }
      %dma_wait3A_153 = arith.constant 1 : i32
      %dma_wait3A_154 = arith.constant 128 : i32
      %dma_wait3A_155 = arith.constant 0 : i32
      %dma_wait3A_156 = tpu.memref_slice %arg6[%dma_wait3A_154, %dma_wait3A_155] : memref<512x128xf32, #tpu.memory_space<vmem>> -> memref<128x128xf32, #tpu.memory_space<vmem>>
      %dma_wait3A_157 = arith.constant 0 : i32
      %dma_wait3A_158 = arith.constant 0 : i32
      %dma_wait3A_159 = tpu.memref_slice %arg2[%dma_wait3A_157, %dma_wait3A_158] : memref<100000x128xf32, #tpu.memory_space<hbm>> -> memref<128x128xf32, #tpu.memory_space<hbm>>
      %dma_wait3A_160 = tpu.memref_slice %arg7[%dma_wait3A_153] : memref<4x!tpu.dma_semaphore, #tpu.memory_space<semaphore_mem>> -> memref<1x!tpu.dma_semaphore, #tpu.memory_space<semaphore_mem>>
      %dma_wait3A_161 = tpu.memref_squeeze %dma_wait3A_160 : memref<1x!tpu.dma_semaphore, #tpu.memory_space<semaphore_mem>> -> memref<!tpu.dma_semaphore, #tpu.memory_space<semaphore_mem>>
      %dma_wait3A_162 = arith.constant 128 : i32
      %dma_wait3A_163 = arith.constant 0 : i32
      %dma_wait3A_164 = tpu.memref_slice %arg6[%dma_wait3A_162, %dma_wait3A_163] : memref<512x128xf32, #tpu.memory_space<vmem>> -> memref<128x128xf32, #tpu.memory_space<vmem>>
      %dma_wait3A_165 = arith.constant 0 : i32
      %dma_wait3A_166 = arith.constant 0 : i32
      %dma_wait3A_167 = tpu.memref_slice %arg2[%dma_wait3A_165, %dma_wait3A_166] : memref<100000x128xf32, #tpu.memory_space<hbm>> -> memref<128x128xf32, #tpu.memory_space<hbm>>
      tpu.wait_dma2 semaphore(%dma_wait3A_161 : memref<!tpu.dma_semaphore, #tpu.memory_space<semaphore_mem>>) src(%dma_wait3A_167 : memref<128x128xf32, #tpu.memory_space<hbm>>) dst(%dma_wait3A_164 : memref<128x128xf32, #tpu.memory_space<vmem>>)
      %add3A_168 = arith.constant 1 : i32
      %add3A_169 = arith.addi %add3A_113, %add3A_168 : i32
      %mul3A_170 = arith.constant 128 : i32
      %mul3A_171 = arith.muli %add3A_169, %mul3A_170 : i32
      %add3A_172 = arith.addi %mul3A_2, %mul3A_171 : i32
      %dma_start3A_173 = arith.constant 1 : i32
      %dma_start3A_174 = arith.constant 128 : i32
      %dma_start3A_175 = arith.constant 0 : i32
      %dma_start3A_176 = tpu.memref_slice %arg6[%dma_start3A_174, %dma_start3A_175] : memref<512x128xf32, #tpu.memory_space<vmem>> -> memref<128x128xf32, #tpu.memory_space<vmem>>
      %dma_start3A_177 = arith.constant 0 : i32
      %dma_start3A_178 = tpu.memref_slice %arg4[%add3A_172, %dma_start3A_177] : memref<212992x128xf32, #tpu.memory_space<hbm>> -> memref<128x128xf32, #tpu.memory_space<hbm>>
      %dma_start3A_179 = tpu.memref_slice %arg8[%dma_start3A_173] : memref<4x!tpu.dma_semaphore, #tpu.memory_space<semaphore_mem>> -> memref<1x!tpu.dma_semaphore, #tpu.memory_space<semaphore_mem>>
      %dma_start3A_180 = tpu.memref_squeeze %dma_start3A_179 : memref<1x!tpu.dma_semaphore, #tpu.memory_space<semaphore_mem>> -> memref<!tpu.dma_semaphore, #tpu.memory_space<semaphore_mem>>
      %dma_start3A_181 = arith.constant 0 : i32
      %dma_start3A_182 = tpu.memref_slice %arg4[%add3A_172, %dma_start3A_181] : memref<212992x128xf32, #tpu.memory_space<hbm>> -> memref<128x128xf32, #tpu.memory_space<hbm>>
      %dma_start3A_183 = arith.constant 128 : i32
      %dma_start3A_184 = arith.constant 0 : i32
      %dma_start3A_185 = tpu.memref_slice %arg6[%dma_start3A_183, %dma_start3A_184] : memref<512x128xf32, #tpu.memory_space<vmem>> -> memref<128x128xf32, #tpu.memory_space<vmem>>
      tpu.enqueue_dma source(%dma_start3A_185 : memref<128x128xf32, #tpu.memory_space<vmem>>) target(%dma_start3A_182 : memref<128x128xf32, #tpu.memory_space<hbm>>) target_semaphore(%dma_start3A_180 : memref<!tpu.dma_semaphore, #tpu.memory_space<semaphore_mem>>)
      %add3A_186 = arith.constant 1 : i32
      %add3A_187 = arith.addi %add3A_113, %add3A_186 : i32
      %add3A_188 = arith.constant 4 : i32
      %add3A_189 = arith.addi %add3A_187, %add3A_188 : i32
      %lt3A_190 = arith.constant 52 : i32
      %lt3A_191 = arith.cmpi slt, %add3A_189, %lt3A_190 : i32
      %convert_element_type3A_192 = arith.extui %lt3A_191 : i1 to i32
      %cond3A_193 = arith.constant 0 : i32
      %cond3A_194 = arith.cmpi ne, %convert_element_type3A_192, %cond3A_193 : i32
      scf.if %cond3A_194 {
        %dma_wait3A_279 = arith.constant 1 : i32
        %dma_wait3A_280 = arith.constant 128 : i32
        %dma_wait3A_281 = arith.constant 0 : i32
        %dma_wait3A_282 = tpu.memref_slice %arg6[%dma_wait3A_280, %dma_wait3A_281] : memref<512x128xf32, #tpu.memory_space<vmem>> -> memref<128x128xf32, #tpu.memory_space<vmem>>
        %dma_wait3A_283 = arith.constant 0 : i32
        %dma_wait3A_284 = arith.constant 0 : i32
        %dma_wait3A_285 = tpu.memref_slice %arg4[%dma_wait3A_283, %dma_wait3A_284] : memref<212992x128xf32, #tpu.memory_space<hbm>> -> memref<128x128xf32, #tpu.memory_space<hbm>>
        %dma_wait3A_286 = tpu.memref_slice %arg8[%dma_wait3A_279] : memref<4x!tpu.dma_semaphore, #tpu.memory_space<semaphore_mem>> -> memref<1x!tpu.dma_semaphore, #tpu.memory_space<semaphore_mem>>
        %dma_wait3A_287 = tpu.memref_squeeze %dma_wait3A_286 : memref<1x!tpu.dma_semaphore, #tpu.memory_space<semaphore_mem>> -> memref<!tpu.dma_semaphore, #tpu.memory_space<semaphore_mem>>
        %dma_wait3A_288 = arith.constant 0 : i32
        %dma_wait3A_289 = arith.constant 0 : i32
        %dma_wait3A_290 = tpu.memref_slice %arg4[%dma_wait3A_288, %dma_wait3A_289] : memref<212992x128xf32, #tpu.memory_space<hbm>> -> memref<128x128xf32, #tpu.memory_space<hbm>>
        %dma_wait3A_291 = arith.constant 128 : i32
        %dma_wait3A_292 = arith.constant 0 : i32
        %dma_wait3A_293 = tpu.memref_slice %arg6[%dma_wait3A_291, %dma_wait3A_292] : memref<512x128xf32, #tpu.memory_space<vmem>> -> memref<128x128xf32, #tpu.memory_space<vmem>>
        tpu.wait_dma2 semaphore(%dma_wait3A_287 : memref<!tpu.dma_semaphore, #tpu.memory_space<semaphore_mem>>) src(%dma_wait3A_293 : memref<128x128xf32, #tpu.memory_space<vmem>>) dst(%dma_wait3A_290 : memref<128x128xf32, #tpu.memory_space<hbm>>)
        %add3A_294 = arith.constant 1 : i32
        %add3A_295 = arith.addi %add3A_113, %add3A_294 : i32
        %add3A_296 = arith.constant 4 : i32
        %add3A_297 = arith.addi %add3A_295, %add3A_296 : i32
        %mul3A_298 = arith.constant 128 : i32
        %mul3A_299 = arith.muli %add3A_297, %mul3A_298 : i32
        %dma_start3A_300 = arith.constant 1 : i32
        %dma_start3A_301 = arith.constant 128 : i32
        %dma_start3A_302 = arith.constant 0 : i32
        %dma_start3A_303 = tpu.memref_slice %arg6[%dma_start3A_301, %dma_start3A_302] : memref<512x128xf32, #tpu.memory_space<vmem>> -> memref<128x128xf32, #tpu.memory_space<vmem>>
        %dma_start3A_304 = tpu.memref_slice %arg5[%mul3A_299] : memref<6656xi32, #tpu.memory_space<vmem>> -> memref<128xi32, #tpu.memory_space<vmem>>
        %dma_start3A_305 = arith.constant 0 : i32
        %dma_start3A_306 = arith.constant 0 : i32
        %dma_start3A_307 = tpu.memref_slice %arg2[%dma_start3A_305, %dma_start3A_306] : memref<100000x128xf32, #tpu.memory_space<hbm>> -> memref<100000x128xf32, #tpu.memory_space<hbm>>
        %dma_start3A_308 = tpu.memref_slice %arg7[%dma_start3A_300] : memref<4x!tpu.dma_semaphore, #tpu.memory_space<semaphore_mem>> -> memref<1x!tpu.dma_semaphore, #tpu.memory_space<semaphore_mem>>
        %dma_start3A_309 = tpu.memref_squeeze %dma_start3A_308 : memref<1x!tpu.dma_semaphore, #tpu.memory_space<semaphore_mem>> -> memref<!tpu.dma_semaphore, #tpu.memory_space<semaphore_mem>>
        tpu.enqueue_indirect_dma source(%dma_start3A_307 : memref<100000x128xf32, #tpu.memory_space<hbm>>) target(%dma_start3A_303 : memref<128x128xf32, #tpu.memory_space<vmem>>) offsets(%dma_start3A_304 : memref<128xi32, #tpu.memory_space<vmem>>) semaphore(%dma_start3A_309 : memref<!tpu.dma_semaphore, #tpu.memory_space<semaphore_mem>>)
      } else {
      }
      %dma_wait3A_195 = arith.constant 2 : i32
      %dma_wait3A_196 = arith.constant 256 : i32
      %dma_wait3A_197 = arith.constant 0 : i32
      %dma_wait3A_198 = tpu.memref_slice %arg6[%dma_wait3A_196, %dma_wait3A_197] : memref<512x128xf32, #tpu.memory_space<vmem>> -> memref<128x128xf32, #tpu.memory_space<vmem>>
      %dma_wait3A_199 = arith.constant 0 : i32
      %dma_wait3A_200 = arith.constant 0 : i32
      %dma_wait3A_201 = tpu.memref_slice %arg2[%dma_wait3A_199, %dma_wait3A_200] : memref<100000x128xf32, #tpu.memory_space<hbm>> -> memref<128x128xf32, #tpu.memory_space<hbm>>
      %dma_wait3A_202 = tpu.memref_slice %arg7[%dma_wait3A_195] : memref<4x!tpu.dma_semaphore, #tpu.memory_space<semaphore_mem>> -> memref<1x!tpu.dma_semaphore, #tpu.memory_space<semaphore_mem>>
      %dma_wait3A_203 = tpu.memref_squeeze %dma_wait3A_202 : memref<1x!tpu.dma_semaphore, #tpu.memory_space<semaphore_mem>> -> memref<!tpu.dma_semaphore, #tpu.memory_space<semaphore_mem>>
      %dma_wait3A_204 = arith.constant 256 : i32
      %dma_wait3A_205 = arith.constant 0 : i32
      %dma_wait3A_206 = tpu.memref_slice %arg6[%dma_wait3A_204, %dma_wait3A_205] : memref<512x128xf32, #tpu.memory_space<vmem>> -> memref<128x128xf32, #tpu.memory_space<vmem>>
      %dma_wait3A_207 = arith.constant 0 : i32
      %dma_wait3A_208 = arith.constant 0 : i32
      %dma_wait3A_209 = tpu.memref_slice %arg2[%dma_wait3A_207, %dma_wait3A_208] : memref<100000x128xf32, #tpu.memory_space<hbm>> -> memref<128x128xf32, #tpu.memory_space<hbm>>
      tpu.wait_dma2 semaphore(%dma_wait3A_203 : memref<!tpu.dma_semaphore, #tpu.memory_space<semaphore_mem>>) src(%dma_wait3A_209 : memref<128x128xf32, #tpu.memory_space<hbm>>) dst(%dma_wait3A_206 : memref<128x128xf32, #tpu.memory_space<vmem>>)
      %add3A_210 = arith.constant 2 : i32
      %add3A_211 = arith.addi %add3A_113, %add3A_210 : i32
      %mul3A_212 = arith.constant 128 : i32
      %mul3A_213 = arith.muli %add3A_211, %mul3A_212 : i32
      %add3A_214 = arith.addi %mul3A_2, %mul3A_213 : i32
      %dma_start3A_215 = arith.constant 2 : i32
      %dma_start3A_216 = arith.constant 256 : i32
      %dma_start3A_217 = arith.constant 0 : i32
      %dma_start3A_218 = tpu.memref_slice %arg6[%dma_start3A_216, %dma_start3A_217] : memref<512x128xf32, #tpu.memory_space<vmem>> -> memref<128x128xf32, #tpu.memory_space<vmem>>
      %dma_start3A_219 = arith.constant 0 : i32
      %dma_start3A_220 = tpu.memref_slice %arg4[%add3A_214, %dma_start3A_219] : memref<212992x128xf32, #tpu.memory_space<hbm>> -> memref<128x128xf32, #tpu.memory_space<hbm>>
      %dma_start3A_221 = tpu.memref_slice %arg8[%dma_start3A_215] : memref<4x!tpu.dma_semaphore, #tpu.memory_space<semaphore_mem>> -> memref<1x!tpu.dma_semaphore, #tpu.memory_space<semaphore_mem>>
      %dma_start3A_222 = tpu.memref_squeeze %dma_start3A_221 : memref<1x!tpu.dma_semaphore, #tpu.memory_space<semaphore_mem>> -> memref<!tpu.dma_semaphore, #tpu.memory_space<semaphore_mem>>
      %dma_start3A_223 = arith.constant 0 : i32
      %dma_start3A_224 = tpu.memref_slice %arg4[%add3A_214, %dma_start3A_223] : memref<212992x128xf32, #tpu.memory_space<hbm>> -> memref<128x128xf32, #tpu.memory_space<hbm>>
      %dma_start3A_225 = arith.constant 256 : i32
      %dma_start3A_226 = arith.constant 0 : i32
      %dma_start3A_227 = tpu.memref_slice %arg6[%dma_start3A_225, %dma_start3A_226] : memref<512x128xf32, #tpu.memory_space<vmem>> -> memref<128x128xf32, #tpu.memory_space<vmem>>
      tpu.enqueue_dma source(%dma_start3A_227 : memref<128x128xf32, #tpu.memory_space<vmem>>) target(%dma_start3A_224 : memref<128x128xf32, #tpu.memory_space<hbm>>) target_semaphore(%dma_start3A_222 : memref<!tpu.dma_semaphore, #tpu.memory_space<semaphore_mem>>)
      %add3A_228 = arith.constant 2 : i32
      %add3A_229 = arith.addi %add3A_113, %add3A_228 : i32
      %add3A_230 = arith.constant 4 : i32
      %add3A_231 = arith.addi %add3A_229, %add3A_230 : i32
      %lt3A_232 = arith.constant 52 : i32
      %lt3A_233 = arith.cmpi slt, %add3A_231, %lt3A_232 : i32
      %convert_element_type3A_234 = arith.extui %lt3A_233 : i1 to i32
      %cond3A_235 = arith.constant 0 : i32
      %cond3A_236 = arith.cmpi ne, %convert_element_type3A_234, %cond3A_235 : i32
      scf.if %cond3A_236 {
        %dma_wait3A_279 = arith.constant 2 : i32
        %dma_wait3A_280 = arith.constant 256 : i32
        %dma_wait3A_281 = arith.constant 0 : i32
        %dma_wait3A_282 = tpu.memref_slice %arg6[%dma_wait3A_280, %dma_wait3A_281] : memref<512x128xf32, #tpu.memory_space<vmem>> -> memref<128x128xf32, #tpu.memory_space<vmem>>
        %dma_wait3A_283 = arith.constant 0 : i32
        %dma_wait3A_284 = arith.constant 0 : i32
        %dma_wait3A_285 = tpu.memref_slice %arg4[%dma_wait3A_283, %dma_wait3A_284] : memref<212992x128xf32, #tpu.memory_space<hbm>> -> memref<128x128xf32, #tpu.memory_space<hbm>>
        %dma_wait3A_286 = tpu.memref_slice %arg8[%dma_wait3A_279] : memref<4x!tpu.dma_semaphore, #tpu.memory_space<semaphore_mem>> -> memref<1x!tpu.dma_semaphore, #tpu.memory_space<semaphore_mem>>
        %dma_wait3A_287 = tpu.memref_squeeze %dma_wait3A_286 : memref<1x!tpu.dma_semaphore, #tpu.memory_space<semaphore_mem>> -> memref<!tpu.dma_semaphore, #tpu.memory_space<semaphore_mem>>
        %dma_wait3A_288 = arith.constant 0 : i32
        %dma_wait3A_289 = arith.constant 0 : i32
        %dma_wait3A_290 = tpu.memref_slice %arg4[%dma_wait3A_288, %dma_wait3A_289] : memref<212992x128xf32, #tpu.memory_space<hbm>> -> memref<128x128xf32, #tpu.memory_space<hbm>>
        %dma_wait3A_291 = arith.constant 256 : i32
        %dma_wait3A_292 = arith.constant 0 : i32
        %dma_wait3A_293 = tpu.memref_slice %arg6[%dma_wait3A_291, %dma_wait3A_292] : memref<512x128xf32, #tpu.memory_space<vmem>> -> memref<128x128xf32, #tpu.memory_space<vmem>>
        tpu.wait_dma2 semaphore(%dma_wait3A_287 : memref<!tpu.dma_semaphore, #tpu.memory_space<semaphore_mem>>) src(%dma_wait3A_293 : memref<128x128xf32, #tpu.memory_space<vmem>>) dst(%dma_wait3A_290 : memref<128x128xf32, #tpu.memory_space<hbm>>)
        %add3A_294 = arith.constant 2 : i32
        %add3A_295 = arith.addi %add3A_113, %add3A_294 : i32
        %add3A_296 = arith.constant 4 : i32
        %add3A_297 = arith.addi %add3A_295, %add3A_296 : i32
        %mul3A_298 = arith.constant 128 : i32
        %mul3A_299 = arith.muli %add3A_297, %mul3A_298 : i32
        %dma_start3A_300 = arith.constant 2 : i32
        %dma_start3A_301 = arith.constant 256 : i32
        %dma_start3A_302 = arith.constant 0 : i32
        %dma_start3A_303 = tpu.memref_slice %arg6[%dma_start3A_301, %dma_start3A_302] : memref<512x128xf32, #tpu.memory_space<vmem>> -> memref<128x128xf32, #tpu.memory_space<vmem>>
        %dma_start3A_304 = tpu.memref_slice %arg5[%mul3A_299] : memref<6656xi32, #tpu.memory_space<vmem>> -> memref<128xi32, #tpu.memory_space<vmem>>
        %dma_start3A_305 = arith.constant 0 : i32
        %dma_start3A_306 = arith.constant 0 : i32
        %dma_start3A_307 = tpu.memref_slice %arg2[%dma_start3A_305, %dma_start3A_306] : memref<100000x128xf32, #tpu.memory_space<hbm>> -> memref<100000x128xf32, #tpu.memory_space<hbm>>
        %dma_start3A_308 = tpu.memref_slice %arg7[%dma_start3A_300] : memref<4x!tpu.dma_semaphore, #tpu.memory_space<semaphore_mem>> -> memref<1x!tpu.dma_semaphore, #tpu.memory_space<semaphore_mem>>
        %dma_start3A_309 = tpu.memref_squeeze %dma_start3A_308 : memref<1x!tpu.dma_semaphore, #tpu.memory_space<semaphore_mem>> -> memref<!tpu.dma_semaphore, #tpu.memory_space<semaphore_mem>>
        tpu.enqueue_indirect_dma source(%dma_start3A_307 : memref<100000x128xf32, #tpu.memory_space<hbm>>) target(%dma_start3A_303 : memref<128x128xf32, #tpu.memory_space<vmem>>) offsets(%dma_start3A_304 : memref<128xi32, #tpu.memory_space<vmem>>) semaphore(%dma_start3A_309 : memref<!tpu.dma_semaphore, #tpu.memory_space<semaphore_mem>>)
      } else {
      }
      %dma_wait3A_237 = arith.constant 3 : i32
      %dma_wait3A_238 = arith.constant 384 : i32
      %dma_wait3A_239 = arith.constant 0 : i32
      %dma_wait3A_240 = tpu.memref_slice %arg6[%dma_wait3A_238, %dma_wait3A_239] : memref<512x128xf32, #tpu.memory_space<vmem>> -> memref<128x128xf32, #tpu.memory_space<vmem>>
      %dma_wait3A_241 = arith.constant 0 : i32
      %dma_wait3A_242 = arith.constant 0 : i32
      %dma_wait3A_243 = tpu.memref_slice %arg2[%dma_wait3A_241, %dma_wait3A_242] : memref<100000x128xf32, #tpu.memory_space<hbm>> -> memref<128x128xf32, #tpu.memory_space<hbm>>
      %dma_wait3A_244 = tpu.memref_slice %arg7[%dma_wait3A_237] : memref<4x!tpu.dma_semaphore, #tpu.memory_space<semaphore_mem>> -> memref<1x!tpu.dma_semaphore, #tpu.memory_space<semaphore_mem>>
      %dma_wait3A_245 = tpu.memref_squeeze %dma_wait3A_244 : memref<1x!tpu.dma_semaphore, #tpu.memory_space<semaphore_mem>> -> memref<!tpu.dma_semaphore, #tpu.memory_space<semaphore_mem>>
      %dma_wait3A_246 = arith.constant 384 : i32
      %dma_wait3A_247 = arith.constant 0 : i32
      %dma_wait3A_248 = tpu.memref_slice %arg6[%dma_wait3A_246, %dma_wait3A_247] : memref<512x128xf32, #tpu.memory_space<vmem>> -> memref<128x128xf32, #tpu.memory_space<vmem>>
      %dma_wait3A_249 = arith.constant 0 : i32
      %dma_wait3A_250 = arith.constant 0 : i32
      %dma_wait3A_251 = tpu.memref_slice %arg2[%dma_wait3A_249, %dma_wait3A_250] : memref<100000x128xf32, #tpu.memory_space<hbm>> -> memref<128x128xf32, #tpu.memory_space<hbm>>
      tpu.wait_dma2 semaphore(%dma_wait3A_245 : memref<!tpu.dma_semaphore, #tpu.memory_space<semaphore_mem>>) src(%dma_wait3A_251 : memref<128x128xf32, #tpu.memory_space<hbm>>) dst(%dma_wait3A_248 : memref<128x128xf32, #tpu.memory_space<vmem>>)
      %add3A_252 = arith.constant 3 : i32
      %add3A_253 = arith.addi %add3A_113, %add3A_252 : i32
      %mul3A_254 = arith.constant 128 : i32
      %mul3A_255 = arith.muli %add3A_253, %mul3A_254 : i32
      %add3A_256 = arith.addi %mul3A_2, %mul3A_255 : i32
      %dma_start3A_257 = arith.constant 3 : i32
      %dma_start3A_258 = arith.constant 384 : i32
      %dma_start3A_259 = arith.constant 0 : i32
      %dma_start3A_260 = tpu.memref_slice %arg6[%dma_start3A_258, %dma_start3A_259] : memref<512x128xf32, #tpu.memory_space<vmem>> -> memref<128x128xf32, #tpu.memory_space<vmem>>
      %dma_start3A_261 = arith.constant 0 : i32
      %dma_start3A_262 = tpu.memref_slice %arg4[%add3A_256, %dma_start3A_261] : memref<212992x128xf32, #tpu.memory_space<hbm>> -> memref<128x128xf32, #tpu.memory_space<hbm>>
      %dma_start3A_263 = tpu.memref_slice %arg8[%dma_start3A_257] : memref<4x!tpu.dma_semaphore, #tpu.memory_space<semaphore_mem>> -> memref<1x!tpu.dma_semaphore, #tpu.memory_space<semaphore_mem>>
      %dma_start3A_264 = tpu.memref_squeeze %dma_start3A_263 : memref<1x!tpu.dma_semaphore, #tpu.memory_space<semaphore_mem>> -> memref<!tpu.dma_semaphore, #tpu.memory_space<semaphore_mem>>
      %dma_start3A_265 = arith.constant 0 : i32
      %dma_start3A_266 = tpu.memref_slice %arg4[%add3A_256, %dma_start3A_265] : memref<212992x128xf32, #tpu.memory_space<hbm>> -> memref<128x128xf32, #tpu.memory_space<hbm>>
      %dma_start3A_267 = arith.constant 384 : i32
      %dma_start3A_268 = arith.constant 0 : i32
      %dma_start3A_269 = tpu.memref_slice %arg6[%dma_start3A_267, %dma_start3A_268] : memref<512x128xf32, #tpu.memory_space<vmem>> -> memref<128x128xf32, #tpu.memory_space<vmem>>
      tpu.enqueue_dma source(%dma_start3A_269 : memref<128x128xf32, #tpu.memory_space<vmem>>) target(%dma_start3A_266 : memref<128x128xf32, #tpu.memory_space<hbm>>) target_semaphore(%dma_start3A_264 : memref<!tpu.dma_semaphore, #tpu.memory_space<semaphore_mem>>)
      %add3A_270 = arith.constant 3 : i32
      %add3A_271 = arith.addi %add3A_113, %add3A_270 : i32
      %add3A_272 = arith.constant 4 : i32
      %add3A_273 = arith.addi %add3A_271, %add3A_272 : i32
      %lt3A_274 = arith.constant 52 : i32
      %lt3A_275 = arith.cmpi slt, %add3A_273, %lt3A_274 : i32
      %convert_element_type3A_276 = arith.extui %lt3A_275 : i1 to i32
      %cond3A_277 = arith.constant 0 : i32
      %cond3A_278 = arith.cmpi ne, %convert_element_type3A_276, %cond3A_277 : i32
      scf.if %cond3A_278 {
        %dma_wait3A_279 = arith.constant 3 : i32
        %dma_wait3A_280 = arith.constant 384 : i32
        %dma_wait3A_281 = arith.constant 0 : i32
        %dma_wait3A_282 = tpu.memref_slice %arg6[%dma_wait3A_280, %dma_wait3A_281] : memref<512x128xf32, #tpu.memory_space<vmem>> -> memref<128x128xf32, #tpu.memory_space<vmem>>
        %dma_wait3A_283 = arith.constant 0 : i32
        %dma_wait3A_284 = arith.constant 0 : i32
        %dma_wait3A_285 = tpu.memref_slice %arg4[%dma_wait3A_283, %dma_wait3A_284] : memref<212992x128xf32, #tpu.memory_space<hbm>> -> memref<128x128xf32, #tpu.memory_space<hbm>>
        %dma_wait3A_286 = tpu.memref_slice %arg8[%dma_wait3A_279] : memref<4x!tpu.dma_semaphore, #tpu.memory_space<semaphore_mem>> -> memref<1x!tpu.dma_semaphore, #tpu.memory_space<semaphore_mem>>
        %dma_wait3A_287 = tpu.memref_squeeze %dma_wait3A_286 : memref<1x!tpu.dma_semaphore, #tpu.memory_space<semaphore_mem>> -> memref<!tpu.dma_semaphore, #tpu.memory_space<semaphore_mem>>
        %dma_wait3A_288 = arith.constant 0 : i32
        %dma_wait3A_289 = arith.constant 0 : i32
        %dma_wait3A_290 = tpu.memref_slice %arg4[%dma_wait3A_288, %dma_wait3A_289] : memref<212992x128xf32, #tpu.memory_space<hbm>> -> memref<128x128xf32, #tpu.memory_space<hbm>>
        %dma_wait3A_291 = arith.constant 384 : i32
        %dma_wait3A_292 = arith.constant 0 : i32
        %dma_wait3A_293 = tpu.memref_slice %arg6[%dma_wait3A_291, %dma_wait3A_292] : memref<512x128xf32, #tpu.memory_space<vmem>> -> memref<128x128xf32, #tpu.memory_space<vmem>>
        tpu.wait_dma2 semaphore(%dma_wait3A_287 : memref<!tpu.dma_semaphore, #tpu.memory_space<semaphore_mem>>) src(%dma_wait3A_293 : memref<128x128xf32, #tpu.memory_space<vmem>>) dst(%dma_wait3A_290 : memref<128x128xf32, #tpu.memory_space<hbm>>)
        %add3A_294 = arith.constant 3 : i32
        %add3A_295 = arith.addi %add3A_113, %add3A_294 : i32
        %add3A_296 = arith.constant 4 : i32
        %add3A_297 = arith.addi %add3A_295, %add3A_296 : i32
        %mul3A_298 = arith.constant 128 : i32
        %mul3A_299 = arith.muli %add3A_297, %mul3A_298 : i32
        %dma_start3A_300 = arith.constant 3 : i32
        %dma_start3A_301 = arith.constant 384 : i32
        %dma_start3A_302 = arith.constant 0 : i32
        %dma_start3A_303 = tpu.memref_slice %arg6[%dma_start3A_301, %dma_start3A_302] : memref<512x128xf32, #tpu.memory_space<vmem>> -> memref<128x128xf32, #tpu.memory_space<vmem>>
        %dma_start3A_304 = tpu.memref_slice %arg5[%mul3A_299] : memref<6656xi32, #tpu.memory_space<vmem>> -> memref<128xi32, #tpu.memory_space<vmem>>
        %dma_start3A_305 = arith.constant 0 : i32
        %dma_start3A_306 = arith.constant 0 : i32
        %dma_start3A_307 = tpu.memref_slice %arg2[%dma_start3A_305, %dma_start3A_306] : memref<100000x128xf32, #tpu.memory_space<hbm>> -> memref<100000x128xf32, #tpu.memory_space<hbm>>
        %dma_start3A_308 = tpu.memref_slice %arg7[%dma_start3A_300] : memref<4x!tpu.dma_semaphore, #tpu.memory_space<semaphore_mem>> -> memref<1x!tpu.dma_semaphore, #tpu.memory_space<semaphore_mem>>
        %dma_start3A_309 = tpu.memref_squeeze %dma_start3A_308 : memref<1x!tpu.dma_semaphore, #tpu.memory_space<semaphore_mem>> -> memref<!tpu.dma_semaphore, #tpu.memory_space<semaphore_mem>>
        tpu.enqueue_indirect_dma source(%dma_start3A_307 : memref<100000x128xf32, #tpu.memory_space<hbm>>) target(%dma_start3A_303 : memref<128x128xf32, #tpu.memory_space<vmem>>) offsets(%dma_start3A_304 : memref<128xi32, #tpu.memory_space<vmem>>) semaphore(%dma_start3A_309 : memref<!tpu.dma_semaphore, #tpu.memory_space<semaphore_mem>>)
      } else {
      }
    }
    %scan3A_49 = arith.constant 13 : i32
    %dma_wait3A = arith.constant 0 : i32
    %dma_wait3A_50 = arith.constant 0 : i32
    %dma_wait3A_51 = arith.constant 0 : i32
    %dma_wait3A_52 = tpu.memref_slice %arg6[%dma_wait3A_50, %dma_wait3A_51] : memref<512x128xf32, #tpu.memory_space<vmem>> -> memref<128x128xf32, #tpu.memory_space<vmem>>
    %dma_wait3A_53 = arith.constant 0 : i32
    %dma_wait3A_54 = arith.constant 0 : i32
    %dma_wait3A_55 = tpu.memref_slice %arg4[%dma_wait3A_53, %dma_wait3A_54] : memref<212992x128xf32, #tpu.memory_space<hbm>> -> memref<128x128xf32, #tpu.memory_space<hbm>>
    %dma_wait3A_56 = tpu.memref_slice %arg8[%dma_wait3A] : memref<4x!tpu.dma_semaphore, #tpu.memory_space<semaphore_mem>> -> memref<1x!tpu.dma_semaphore, #tpu.memory_space<semaphore_mem>>
    %dma_wait3A_57 = tpu.memref_squeeze %dma_wait3A_56 : memref<1x!tpu.dma_semaphore, #tpu.memory_space<semaphore_mem>> -> memref<!tpu.dma_semaphore, #tpu.memory_space<semaphore_mem>>
    %dma_wait3A_58 = arith.constant 0 : i32
    %dma_wait3A_59 = arith.constant 0 : i32
    %dma_wait3A_60 = tpu.memref_slice %arg4[%dma_wait3A_58, %dma_wait3A_59] : memref<212992x128xf32, #tpu.memory_space<hbm>> -> memref<128x128xf32, #tpu.memory_space<hbm>>
    %dma_wait3A_61 = arith.constant 0 : i32
    %dma_wait3A_62 = arith.constant 0 : i32
    %dma_wait3A_63 = tpu.memref_slice %arg6[%dma_wait3A_61, %dma_wait3A_62] : memref<512x128xf32, #tpu.memory_space<vmem>> -> memref<128x128xf32, #tpu.memory_space<vmem>>
    tpu.wait_dma2 semaphore(%dma_wait3A_57 : memref<!tpu.dma_semaphore, #tpu.memory_space<semaphore_mem>>) src(%dma_wait3A_63 : memref<128x128xf32, #tpu.memory_space<vmem>>) dst(%dma_wait3A_60 : memref<128x128xf32, #tpu.memory_space<hbm>>)
    %dma_wait3A_64 = arith.constant 1 : i32
    %dma_wait3A_65 = arith.constant 128 : i32
    %dma_wait3A_66 = arith.constant 0 : i32
    %dma_wait3A_67 = tpu.memref_slice %arg6[%dma_wait3A_65, %dma_wait3A_66] : memref<512x128xf32, #tpu.memory_space<vmem>> -> memref<128x128xf32, #tpu.memory_space<vmem>>
    %dma_wait3A_68 = arith.constant 0 : i32
    %dma_wait3A_69 = arith.constant 0 : i32
    %dma_wait3A_70 = tpu.memref_slice %arg4[%dma_wait3A_68, %dma_wait3A_69] : memref<212992x128xf32, #tpu.memory_space<hbm>> -> memref<128x128xf32, #tpu.memory_space<hbm>>
    %dma_wait3A_71 = tpu.memref_slice %arg8[%dma_wait3A_64] : memref<4x!tpu.dma_semaphore, #tpu.memory_space<semaphore_mem>> -> memref<1x!tpu.dma_semaphore, #tpu.memory_space<semaphore_mem>>
    %dma_wait3A_72 = tpu.memref_squeeze %dma_wait3A_71 : memref<1x!tpu.dma_semaphore, #tpu.memory_space<semaphore_mem>> -> memref<!tpu.dma_semaphore, #tpu.memory_space<semaphore_mem>>
    %dma_wait3A_73 = arith.constant 0 : i32
    %dma_wait3A_74 = arith.constant 0 : i32
    %dma_wait3A_75 = tpu.memref_slice %arg4[%dma_wait3A_73, %dma_wait3A_74] : memref<212992x128xf32, #tpu.memory_space<hbm>> -> memref<128x128xf32, #tpu.memory_space<hbm>>
    %dma_wait3A_76 = arith.constant 128 : i32
    %dma_wait3A_77 = arith.constant 0 : i32
    %dma_wait3A_78 = tpu.memref_slice %arg6[%dma_wait3A_76, %dma_wait3A_77] : memref<512x128xf32, #tpu.memory_space<vmem>> -> memref<128x128xf32, #tpu.memory_space<vmem>>
    tpu.wait_dma2 semaphore(%dma_wait3A_72 : memref<!tpu.dma_semaphore, #tpu.memory_space<semaphore_mem>>) src(%dma_wait3A_78 : memref<128x128xf32, #tpu.memory_space<vmem>>) dst(%dma_wait3A_75 : memref<128x128xf32, #tpu.memory_space<hbm>>)
    %dma_wait3A_79 = arith.constant 2 : i32
    %dma_wait3A_80 = arith.constant 256 : i32
    %dma_wait3A_81 = arith.constant 0 : i32
    %dma_wait3A_82 = tpu.memref_slice %arg6[%dma_wait3A_80, %dma_wait3A_81] : memref<512x128xf32, #tpu.memory_space<vmem>> -> memref<128x128xf32, #tpu.memory_space<vmem>>
    %dma_wait3A_83 = arith.constant 0 : i32
    %dma_wait3A_84 = arith.constant 0 : i32
    %dma_wait3A_85 = tpu.memref_slice %arg4[%dma_wait3A_83, %dma_wait3A_84] : memref<212992x128xf32, #tpu.memory_space<hbm>> -> memref<128x128xf32, #tpu.memory_space<hbm>>
    %dma_wait3A_86 = tpu.memref_slice %arg8[%dma_wait3A_79] : memref<4x!tpu.dma_semaphore, #tpu.memory_space<semaphore_mem>> -> memref<1x!tpu.dma_semaphore, #tpu.memory_space<semaphore_mem>>
    %dma_wait3A_87 = tpu.memref_squeeze %dma_wait3A_86 : memref<1x!tpu.dma_semaphore, #tpu.memory_space<semaphore_mem>> -> memref<!tpu.dma_semaphore, #tpu.memory_space<semaphore_mem>>
    %dma_wait3A_88 = arith.constant 0 : i32
    %dma_wait3A_89 = arith.constant 0 : i32
    %dma_wait3A_90 = tpu.memref_slice %arg4[%dma_wait3A_88, %dma_wait3A_89] : memref<212992x128xf32, #tpu.memory_space<hbm>> -> memref<128x128xf32, #tpu.memory_space<hbm>>
    %dma_wait3A_91 = arith.constant 256 : i32
    %dma_wait3A_92 = arith.constant 0 : i32
    %dma_wait3A_93 = tpu.memref_slice %arg6[%dma_wait3A_91, %dma_wait3A_92] : memref<512x128xf32, #tpu.memory_space<vmem>> -> memref<128x128xf32, #tpu.memory_space<vmem>>
    tpu.wait_dma2 semaphore(%dma_wait3A_87 : memref<!tpu.dma_semaphore, #tpu.memory_space<semaphore_mem>>) src(%dma_wait3A_93 : memref<128x128xf32, #tpu.memory_space<vmem>>) dst(%dma_wait3A_90 : memref<128x128xf32, #tpu.memory_space<hbm>>)
    %dma_wait3A_94 = arith.constant 3 : i32
    %dma_wait3A_95 = arith.constant 384 : i32
    %dma_wait3A_96 = arith.constant 0 : i32
    %dma_wait3A_97 = tpu.memref_slice %arg6[%dma_wait3A_95, %dma_wait3A_96] : memref<512x128xf32, #tpu.memory_space<vmem>> -> memref<128x128xf32, #tpu.memory_space<vmem>>
    %dma_wait3A_98 = arith.constant 0 : i32
    %dma_wait3A_99 = arith.constant 0 : i32
    %dma_wait3A_100 = tpu.memref_slice %arg4[%dma_wait3A_98, %dma_wait3A_99] : memref<212992x128xf32, #tpu.memory_space<hbm>> -> memref<128x128xf32, #tpu.memory_space<hbm>>
    %dma_wait3A_101 = tpu.memref_slice %arg8[%dma_wait3A_94] : memref<4x!tpu.dma_semaphore, #tpu.memory_space<semaphore_mem>> -> memref<1x!tpu.dma_semaphore, #tpu.memory_space<semaphore_mem>>
    %dma_wait3A_102 = tpu.memref_squeeze %dma_wait3A_101 : memref<1x!tpu.dma_semaphore, #tpu.memory_space<semaphore_mem>> -> memref<!tpu.dma_semaphore, #tpu.memory_space<semaphore_mem>>
    %dma_wait3A_103 = arith.constant 0 : i32
    %dma_wait3A_104 = arith.constant 0 : i32
    %dma_wait3A_105 = tpu.memref_slice %arg4[%dma_wait3A_103, %dma_wait3A_104] : memref<212992x128xf32, #tpu.memory_space<hbm>> -> memref<128x128xf32, #tpu.memory_space<hbm>>
    %dma_wait3A_106 = arith.constant 384 : i32
    %dma_wait3A_107 = arith.constant 0 : i32
    %dma_wait3A_108 = tpu.memref_slice %arg6[%dma_wait3A_106, %dma_wait3A_107] : memref<512x128xf32, #tpu.memory_space<vmem>> -> memref<128x128xf32, #tpu.memory_space<vmem>>
    tpu.wait_dma2 semaphore(%dma_wait3A_102 : memref<!tpu.dma_semaphore, #tpu.memory_space<semaphore_mem>>) src(%dma_wait3A_108 : memref<128x128xf32, #tpu.memory_space<vmem>>) dst(%dma_wait3A_105 : memref<128x128xf32, #tpu.memory_space<hbm>>)
    return
  }
}

#map = affine_map<(d0, d1) -> (0, 0)>
#map1 = affine_map<(d0, d1) -> (0)>
module attributes {stable_mosaic.version = 14 : i64} {
  func.func @gather_kernel(%arg0: i32, %arg1: i32, %arg2: memref<100000x128xf32, #tpu.memory_space<hbm>>, %arg3: memref<212992xi32, #tpu.memory_space<hbm>>, %arg4: memref<212992x128xf32, #tpu.memory_space<hbm>>, %arg5: memref<6656xi32, #tpu.memory_space<vmem>>, %arg6: memref<512x128xf32, #tpu.memory_space<vmem>>, %arg7: memref<4x!tpu.dma_semaphore, #tpu.memory_space<semaphore_mem>>, %arg8: memref<4x!tpu.dma_semaphore, #tpu.memory_space<semaphore_mem>>) attributes {dimension_semantics = [#tpu.dimension_semantics<core_parallel>, #tpu.dimension_semantics<subcore_parallel>], iteration_bounds = array<i64: 2, 16>, scalar_prefetch = 0 : i64, scratch_operands = 4 : i64, tpu.core_type = #tpu.core_type<sc_vector_subcore>, window_params = [{transform_indices = #map}, {transform_indices = #map1}, {transform_indices = #map}]} {
    %mul3A = arith.constant 2 : i32
    %mul3A_0 = arith.muli %arg1, %mul3A : i32
    %add3A = arith.addi %mul3A_0, %arg0 : i32
    %mul3A_1 = arith.constant 6656 : i32
    %mul3A_2 = arith.muli %add3A, %mul3A_1 : i32
    "tpu.region"() ({
      %run_scoped3A = tpu.sem_alloc : memref<!tpu.dma_semaphore, #tpu.memory_space<semaphore_mem>>
      %dma_start3A_109 = tpu.memref_slice %arg3[%mul3A_2] : memref<212992xi32, #tpu.memory_space<hbm>> -> memref<6656xi32, #tpu.memory_space<hbm>>
      %dma_start3A_110 = tpu.memref_slice %arg3[%mul3A_2] : memref<212992xi32, #tpu.memory_space<hbm>> -> memref<6656xi32, #tpu.memory_space<hbm>>
      tpu.enqueue_dma source(%dma_start3A_110 : memref<6656xi32, #tpu.memory_space<hbm>>) target(%arg5 : memref<6656xi32, #tpu.memory_space<vmem>>) target_semaphore(%run_scoped3A : memref<!tpu.dma_semaphore, #tpu.memory_space<semaphore_mem>>)
      %dma_wait3A_111 = tpu.memref_slice %arg3[%mul3A_2] : memref<212992xi32, #tpu.memory_space<hbm>> -> memref<6656xi32, #tpu.memory_space<hbm>>
      %dma_wait3A_112 = tpu.memref_slice %arg3[%mul3A_2] : memref<212992xi32, #tpu.memory_space<hbm>> -> memref<6656xi32, #tpu.memory_space<hbm>>
      tpu.wait_dma2 semaphore(%run_scoped3A : memref<!tpu.dma_semaphore, #tpu.memory_space<semaphore_mem>>) src(%dma_wait3A_112 : memref<6656xi32, #tpu.memory_space<hbm>>) dst(%arg5 : memref<6656xi32, #tpu.memory_space<vmem>>)
      tpu.yield
    }) : () -> ()
    %dma_start3A = arith.constant 0 : i32
    %dma_start3A_3 = arith.constant 0 : i32
    %dma_start3A_4 = arith.constant 0 : i32
    %dma_start3A_5 = tpu.memref_slice %arg6[%dma_start3A_3, %dma_start3A_4] : memref<512x128xf32, #tpu.memory_space<vmem>> -> memref<128x128xf32, #tpu.memory_space<vmem>>
    %dma_start3A_6 = arith.constant 0 : i32
    %dma_start3A_7 = tpu.memref_slice %arg5[%dma_start3A_6] : memref<6656xi32, #tpu.memory_space<vmem>> -> memref<128xi32, #tpu.memory_space<vmem>>
    %dma_start3A_8 = arith.constant 0 : i32
    %dma_start3A_9 = arith.constant 0 : i32
    %dma_start3A_10 = tpu.memref_slice %arg2[%dma_start3A_8, %dma_start3A_9] : memref<100000x128xf32, #tpu.memory_space<hbm>> -> memref<100000x128xf32, #tpu.memory_space<hbm>>
    %dma_start3A_11 = tpu.memref_slice %arg7[%dma_start3A] : memref<4x!tpu.dma_semaphore, #tpu.memory_space<semaphore_mem>> -> memref<1x!tpu.dma_semaphore, #tpu.memory_space<semaphore_mem>>
    %dma_start3A_12 = tpu.memref_squeeze %dma_start3A_11 : memref<1x!tpu.dma_semaphore, #tpu.memory_space<semaphore_mem>> -> memref<!tpu.dma_semaphore, #tpu.memory_space<semaphore_mem>>
    tpu.enqueue_indirect_dma source(%dma_start3A_10 : memref<100000x128xf32, #tpu.memory_space<hbm>>) target(%dma_start3A_5 : memref<128x128xf32, #tpu.memory_space<vmem>>) offsets(%dma_start3A_7 : memref<128xi32, #tpu.memory_space<vmem>>) semaphore(%dma_start3A_12 : memref<!tpu.dma_semaphore, #tpu.memory_space<semaphore_mem>>)
    %dma_start3A_13 = arith.constant 1 : i32
    %dma_start3A_14 = arith.constant 128 : i32
    %dma_start3A_15 = arith.constant 0 : i32
    %dma_start3A_16 = tpu.memref_slice %arg6[%dma_start3A_14, %dma_start3A_15] : memref<512x128xf32, #tpu.memory_space<vmem>> -> memref<128x128xf32, #tpu.memory_space<vmem>>
    %dma_start3A_17 = arith.constant 128 : i32
    %dma_start3A_18 = tpu.memref_slice %arg5[%dma_start3A_17] : memref<6656xi32, #tpu.memory_space<vmem>> -> memref<128xi32, #tpu.memory_space<vmem>>
    %dma_start3A_19 = arith.constant 0 : i32
    %dma_start3A_20 = arith.constant 0 : i32
    %dma_start3A_21 = tpu.memref_slice %arg2[%dma_start3A_19, %dma_start3A_20] : memref<100000x128xf32, #tpu.memory_space<hbm>> -> memref<100000x128xf32, #tpu.memory_space<hbm>>
    %dma_start3A_22 = tpu.memref_slice %arg7[%dma_start3A_13] : memref<4x!tpu.dma_semaphore, #tpu.memory_space<semaphore_mem>> -> memref<1x!tpu.dma_semaphore, #tpu.memory_space<semaphore_mem>>
    %dma_start3A_23 = tpu.memref_squeeze %dma_start3A_22 : memref<1x!tpu.dma_semaphore, #tpu.memory_space<semaphore_mem>> -> memref<!tpu.dma_semaphore, #tpu.memory_space<semaphore_mem>>
    tpu.enqueue_indirect_dma source(%dma_start3A_21 : memref<100000x128xf32, #tpu.memory_space<hbm>>) target(%dma_start3A_16 : memref<128x128xf32, #tpu.memory_space<vmem>>) offsets(%dma_start3A_18 : memref<128xi32, #tpu.memory_space<vmem>>) semaphore(%dma_start3A_23 : memref<!tpu.dma_semaphore, #tpu.memory_space<semaphore_mem>>)
    %dma_start3A_24 = arith.constant 2 : i32
    %dma_start3A_25 = arith.constant 256 : i32
    %dma_start3A_26 = arith.constant 0 : i32
    %dma_start3A_27 = tpu.memref_slice %arg6[%dma_start3A_25, %dma_start3A_26] : memref<512x128xf32, #tpu.memory_space<vmem>> -> memref<128x128xf32, #tpu.memory_space<vmem>>
    %dma_start3A_28 = arith.constant 256 : i32
    %dma_start3A_29 = tpu.memref_slice %arg5[%dma_start3A_28] : memref<6656xi32, #tpu.memory_space<vmem>> -> memref<128xi32, #tpu.memory_space<vmem>>
    %dma_start3A_30 = arith.constant 0 : i32
    %dma_start3A_31 = arith.constant 0 : i32
    %dma_start3A_32 = tpu.memref_slice %arg2[%dma_start3A_30, %dma_start3A_31] : memref<100000x128xf32, #tpu.memory_space<hbm>> -> memref<100000x128xf32, #tpu.memory_space<hbm>>
    %dma_start3A_33 = tpu.memref_slice %arg7[%dma_start3A_24] : memref<4x!tpu.dma_semaphore, #tpu.memory_space<semaphore_mem>> -> memref<1x!tpu.dma_semaphore, #tpu.memory_space<semaphore_mem>>
    %dma_start3A_34 = tpu.memref_squeeze %dma_start3A_33 : memref<1x!tpu.dma_semaphore, #tpu.memory_space<semaphore_mem>> -> memref<!tpu.dma_semaphore, #tpu.memory_space<semaphore_mem>>
    tpu.enqueue_indirect_dma source(%dma_start3A_32 : memref<100000x128xf32, #tpu.memory_space<hbm>>) target(%dma_start3A_27 : memref<128x128xf32, #tpu.memory_space<vmem>>) offsets(%dma_start3A_29 : memref<128xi32, #tpu.memory_space<vmem>>) semaphore(%dma_start3A_34 : memref<!tpu.dma_semaphore, #tpu.memory_space<semaphore_mem>>)
    %dma_start3A_35 = arith.constant 3 : i32
    %dma_start3A_36 = arith.constant 384 : i32
    %dma_start3A_37 = arith.constant 0 : i32
    %dma_start3A_38 = tpu.memref_slice %arg6[%dma_start3A_36, %dma_start3A_37] : memref<512x128xf32, #tpu.memory_space<vmem>> -> memref<128x128xf32, #tpu.memory_space<vmem>>
    %dma_start3A_39 = arith.constant 384 : i32
    %dma_start3A_40 = tpu.memref_slice %arg5[%dma_start3A_39] : memref<6656xi32, #tpu.memory_space<vmem>> -> memref<128xi32, #tpu.memory_space<vmem>>
    %dma_start3A_41 = arith.constant 0 : i32
    %dma_start3A_42 = arith.constant 0 : i32
    %dma_start3A_43 = tpu.memref_slice %arg2[%dma_start3A_41, %dma_start3A_42] : memref<100000x128xf32, #tpu.memory_space<hbm>> -> memref<100000x128xf32, #tpu.memory_space<hbm>>
    %dma_start3A_44 = tpu.memref_slice %arg7[%dma_start3A_35] : memref<4x!tpu.dma_semaphore, #tpu.memory_space<semaphore_mem>> -> memref<1x!tpu.dma_semaphore, #tpu.memory_space<semaphore_mem>>
    %dma_start3A_45 = tpu.memref_squeeze %dma_start3A_44 : memref<1x!tpu.dma_semaphore, #tpu.memory_space<semaphore_mem>> -> memref<!tpu.dma_semaphore, #tpu.memory_space<semaphore_mem>>
    tpu.enqueue_indirect_dma source(%dma_start3A_43 : memref<100000x128xf32, #tpu.memory_space<hbm>>) target(%dma_start3A_38 : memref<128x128xf32, #tpu.memory_space<vmem>>) offsets(%dma_start3A_40 : memref<128xi32, #tpu.memory_space<vmem>>) semaphore(%dma_start3A_45 : memref<!tpu.dma_semaphore, #tpu.memory_space<semaphore_mem>>)
    %scan3A = arith.constant 0 : i32
    %scan3A_46 = arith.constant 13 : i32
    %scan3A_47 = arith.addi %scan3A, %scan3A_46 : i32
    %scan3A_48 = arith.constant 1 : i32
    scf.for %scan3A_109 = %scan3A to %scan3A_47 step %scan3A_48  : i32 {
      %mul3A_110 = arith.constant 4 : i32
      %mul3A_111 = arith.muli %scan3A_109, %mul3A_110 : i32
      %add3A_112 = arith.constant 0 : i32
      %add3A_113 = arith.addi %add3A_112, %mul3A_111 : i32
      %dma_wait3A_114 = arith.constant 0 : i32
      %dma_wait3A_115 = arith.constant 0 : i32
      %dma_wait3A_116 = arith.constant 0 : i32
      %dma_wait3A_117 = tpu.memref_slice %arg6[%dma_wait3A_115, %dma_wait3A_116] : memref<512x128xf32, #tpu.memory_space<vmem>> -> memref<128x128xf32, #tpu.memory_space<vmem>>
      %dma_wait3A_118 = arith.constant 0 : i32
      %dma_wait3A_119 = arith.constant 0 : i32
      %dma_wait3A_120 = tpu.memref_slice %arg2[%dma_wait3A_118, %dma_wait3A_119] : memref<100000x128xf32, #tpu.memory_space<hbm>> -> memref<128x128xf32, #tpu.memory_space<hbm>>
      %dma_wait3A_121 = tpu.memref_slice %arg7[%dma_wait3A_114] : memref<4x!tpu.dma_semaphore, #tpu.memory_space<semaphore_mem>> -> memref<1x!tpu.dma_semaphore, #tpu.memory_space<semaphore_mem>>
      %dma_wait3A_122 = tpu.memref_squeeze %dma_wait3A_121 : memref<1x!tpu.dma_semaphore, #tpu.memory_space<semaphore_mem>> -> memref<!tpu.dma_semaphore, #tpu.memory_space<semaphore_mem>>
      %dma_wait3A_123 = arith.constant 0 : i32
      %dma_wait3A_124 = arith.constant 0 : i32
      %dma_wait3A_125 = tpu.memref_slice %arg6[%dma_wait3A_123, %dma_wait3A_124] : memref<512x128xf32, #tpu.memory_space<vmem>> -> memref<128x128xf32, #tpu.memory_space<vmem>>
      %dma_wait3A_126 = arith.constant 0 : i32
      %dma_wait3A_127 = arith.constant 0 : i32
      %dma_wait3A_128 = tpu.memref_slice %arg2[%dma_wait3A_126, %dma_wait3A_127] : memref<100000x128xf32, #tpu.memory_space<hbm>> -> memref<128x128xf32, #tpu.memory_space<hbm>>
      tpu.wait_dma2 semaphore(%dma_wait3A_122 : memref<!tpu.dma_semaphore, #tpu.memory_space<semaphore_mem>>) src(%dma_wait3A_128 : memref<128x128xf32, #tpu.memory_space<hbm>>) dst(%dma_wait3A_125 : memref<128x128xf32, #tpu.memory_space<vmem>>)
      %add3A_129 = arith.constant 0 : i32
      %add3A_130 = arith.addi %add3A_113, %add3A_129 : i32
      %mul3A_131 = arith.constant 128 : i32
      %mul3A_132 = arith.muli %add3A_130, %mul3A_131 : i32
      %add3A_133 = arith.addi %mul3A_2, %mul3A_132 : i32
      %dma_start3A_134 = arith.constant 0 : i32
      %dma_start3A_135 = arith.constant 0 : i32
      %dma_start3A_136 = arith.constant 0 : i32
      %dma_start3A_137 = tpu.memref_slice %arg6[%dma_start3A_135, %dma_start3A_136] : memref<512x128xf32, #tpu.memory_space<vmem>> -> memref<128x128xf32, #tpu.memory_space<vmem>>
      %dma_start3A_138 = arith.constant 0 : i32
      %dma_start3A_139 = tpu.memref_slice %arg4[%add3A_133, %dma_start3A_138] : memref<212992x128xf32, #tpu.memory_space<hbm>> -> memref<128x128xf32, #tpu.memory_space<hbm>>
      %dma_start3A_140 = tpu.memref_slice %arg8[%dma_start3A_134] : memref<4x!tpu.dma_semaphore, #tpu.memory_space<semaphore_mem>> -> memref<1x!tpu.dma_semaphore, #tpu.memory_space<semaphore_mem>>
      %dma_start3A_141 = tpu.memref_squeeze %dma_start3A_140 : memref<1x!tpu.dma_semaphore, #tpu.memory_space<semaphore_mem>> -> memref<!tpu.dma_semaphore, #tpu.memory_space<semaphore_mem>>
      %dma_start3A_142 = arith.constant 0 : i32
      %dma_start3A_143 = tpu.memref_slice %arg4[%add3A_133, %dma_start3A_142] : memref<212992x128xf32, #tpu.memory_space<hbm>> -> memref<128x128xf32, #tpu.memory_space<hbm>>
      %dma_start3A_144 = arith.constant 0 : i32
      %dma_start3A_145 = arith.constant 0 : i32
      %dma_start3A_146 = tpu.memref_slice %arg6[%dma_start3A_144, %dma_start3A_145] : memref<512x128xf32, #tpu.memory_space<vmem>> -> memref<128x128xf32, #tpu.memory_space<vmem>>
      tpu.enqueue_dma source(%dma_start3A_146 : memref<128x128xf32, #tpu.memory_space<vmem>>) target(%dma_start3A_143 : memref<128x128xf32, #tpu.memory_space<hbm>>) target_semaphore(%dma_start3A_141 : memref<!tpu.dma_semaphore, #tpu.memory_space<semaphore_mem>>)
      %add3A_147 = arith.constant 0 : i32
      %add3A_148 = arith.addi %add3A_113, %add3A_147 : i32
      %add3A_149 = arith.constant 4 : i32
      %add3A_150 = arith.addi %add3A_148, %add3A_149 : i32
      %lt3A = arith.constant 52 : i32
      %lt3A_151 = arith.cmpi slt, %add3A_150, %lt3A : i32
      %convert_element_type3A = arith.extui %lt3A_151 : i1 to i32
      %cond3A = arith.constant 0 : i32
      %cond3A_152 = arith.cmpi ne, %convert_element_type3A, %cond3A : i32
      scf.if %cond3A_152 {
        %dma_wait3A_279 = arith.constant 0 : i32
        %dma_wait3A_280 = arith.constant 0 : i32
        %dma_wait3A_281 = arith.constant 0 : i32
        %dma_wait3A_282 = tpu.memref_slice %arg6[%dma_wait3A_280, %dma_wait3A_281] : memref<512x128xf32, #tpu.memory_space<vmem>> -> memref<128x128xf32, #tpu.memory_space<vmem>>
        %dma_wait3A_283 = arith.constant 0 : i32
        %dma_wait3A_284 = arith.constant 0 : i32
        %dma_wait3A_285 = tpu.memref_slice %arg4[%dma_wait3A_283, %dma_wait3A_284] : memref<212992x128xf32, #tpu.memory_space<hbm>> -> memref<128x128xf32, #tpu.memory_space<hbm>>
        %dma_wait3A_286 = tpu.memref_slice %arg8[%dma_wait3A_279] : memref<4x!tpu.dma_semaphore, #tpu.memory_space<semaphore_mem>> -> memref<1x!tpu.dma_semaphore, #tpu.memory_space<semaphore_mem>>
        %dma_wait3A_287 = tpu.memref_squeeze %dma_wait3A_286 : memref<1x!tpu.dma_semaphore, #tpu.memory_space<semaphore_mem>> -> memref<!tpu.dma_semaphore, #tpu.memory_space<semaphore_mem>>
        %dma_wait3A_288 = arith.constant 0 : i32
        %dma_wait3A_289 = arith.constant 0 : i32
        %dma_wait3A_290 = tpu.memref_slice %arg4[%dma_wait3A_288, %dma_wait3A_289] : memref<212992x128xf32, #tpu.memory_space<hbm>> -> memref<128x128xf32, #tpu.memory_space<hbm>>
        %dma_wait3A_291 = arith.constant 0 : i32
        %dma_wait3A_292 = arith.constant 0 : i32
        %dma_wait3A_293 = tpu.memref_slice %arg6[%dma_wait3A_291, %dma_wait3A_292] : memref<512x128xf32, #tpu.memory_space<vmem>> -> memref<128x128xf32, #tpu.memory_space<vmem>>
        tpu.wait_dma2 semaphore(%dma_wait3A_287 : memref<!tpu.dma_semaphore, #tpu.memory_space<semaphore_mem>>) src(%dma_wait3A_293 : memref<128x128xf32, #tpu.memory_space<vmem>>) dst(%dma_wait3A_290 : memref<128x128xf32, #tpu.memory_space<hbm>>)
        %add3A_294 = arith.constant 0 : i32
        %add3A_295 = arith.addi %add3A_113, %add3A_294 : i32
        %add3A_296 = arith.constant 4 : i32
        %add3A_297 = arith.addi %add3A_295, %add3A_296 : i32
        %mul3A_298 = arith.constant 128 : i32
        %mul3A_299 = arith.muli %add3A_297, %mul3A_298 : i32
        %dma_start3A_300 = arith.constant 0 : i32
        %dma_start3A_301 = arith.constant 0 : i32
        %dma_start3A_302 = arith.constant 0 : i32
        %dma_start3A_303 = tpu.memref_slice %arg6[%dma_start3A_301, %dma_start3A_302] : memref<512x128xf32, #tpu.memory_space<vmem>> -> memref<128x128xf32, #tpu.memory_space<vmem>>
        %dma_start3A_304 = tpu.memref_slice %arg5[%mul3A_299] : memref<6656xi32, #tpu.memory_space<vmem>> -> memref<128xi32, #tpu.memory_space<vmem>>
        %dma_start3A_305 = arith.constant 0 : i32
        %dma_start3A_306 = arith.constant 0 : i32
        %dma_start3A_307 = tpu.memref_slice %arg2[%dma_start3A_305, %dma_start3A_306] : memref<100000x128xf32, #tpu.memory_space<hbm>> -> memref<100000x128xf32, #tpu.memory_space<hbm>>
        %dma_start3A_308 = tpu.memref_slice %arg7[%dma_start3A_300] : memref<4x!tpu.dma_semaphore, #tpu.memory_space<semaphore_mem>> -> memref<1x!tpu.dma_semaphore, #tpu.memory_space<semaphore_mem>>
        %dma_start3A_309 = tpu.memref_squeeze %dma_start3A_308 : memref<1x!tpu.dma_semaphore, #tpu.memory_space<semaphore_mem>> -> memref<!tpu.dma_semaphore, #tpu.memory_space<semaphore_mem>>
        tpu.enqueue_indirect_dma source(%dma_start3A_307 : memref<100000x128xf32, #tpu.memory_space<hbm>>) target(%dma_start3A_303 : memref<128x128xf32, #tpu.memory_space<vmem>>) offsets(%dma_start3A_304 : memref<128xi32, #tpu.memory_space<vmem>>) semaphore(%dma_start3A_309 : memref<!tpu.dma_semaphore, #tpu.memory_space<semaphore_mem>>)
      } else {
      }
      %dma_wait3A_153 = arith.constant 1 : i32
      %dma_wait3A_154 = arith.constant 128 : i32
      %dma_wait3A_155 = arith.constant 0 : i32
      %dma_wait3A_156 = tpu.memref_slice %arg6[%dma_wait3A_154, %dma_wait3A_155] : memref<512x128xf32, #tpu.memory_space<vmem>> -> memref<128x128xf32, #tpu.memory_space<vmem>>
      %dma_wait3A_157 = arith.constant 0 : i32
      %dma_wait3A_158 = arith.constant 0 : i32
      %dma_wait3A_159 = tpu.memref_slice %arg2[%dma_wait3A_157, %dma_wait3A_158] : memref<100000x128xf32, #tpu.memory_space<hbm>> -> memref<128x128xf32, #tpu.memory_space<hbm>>
      %dma_wait3A_160 = tpu.memref_slice %arg7[%dma_wait3A_153] : memref<4x!tpu.dma_semaphore, #tpu.memory_space<semaphore_mem>> -> memref<1x!tpu.dma_semaphore, #tpu.memory_space<semaphore_mem>>
      %dma_wait3A_161 = tpu.memref_squeeze %dma_wait3A_160 : memref<1x!tpu.dma_semaphore, #tpu.memory_space<semaphore_mem>> -> memref<!tpu.dma_semaphore, #tpu.memory_space<semaphore_mem>>
      %dma_wait3A_162 = arith.constant 128 : i32
      %dma_wait3A_163 = arith.constant 0 : i32
      %dma_wait3A_164 = tpu.memref_slice %arg6[%dma_wait3A_162, %dma_wait3A_163] : memref<512x128xf32, #tpu.memory_space<vmem>> -> memref<128x128xf32, #tpu.memory_space<vmem>>
      %dma_wait3A_165 = arith.constant 0 : i32
      %dma_wait3A_166 = arith.constant 0 : i32
      %dma_wait3A_167 = tpu.memref_slice %arg2[%dma_wait3A_165, %dma_wait3A_166] : memref<100000x128xf32, #tpu.memory_space<hbm>> -> memref<128x128xf32, #tpu.memory_space<hbm>>
      tpu.wait_dma2 semaphore(%dma_wait3A_161 : memref<!tpu.dma_semaphore, #tpu.memory_space<semaphore_mem>>) src(%dma_wait3A_167 : memref<128x128xf32, #tpu.memory_space<hbm>>) dst(%dma_wait3A_164 : memref<128x128xf32, #tpu.memory_space<vmem>>)
      %add3A_168 = arith.constant 1 : i32
      %add3A_169 = arith.addi %add3A_113, %add3A_168 : i32
      %mul3A_170 = arith.constant 128 : i32
      %mul3A_171 = arith.muli %add3A_169, %mul3A_170 : i32
      %add3A_172 = arith.addi %mul3A_2, %mul3A_171 : i32
      %dma_start3A_173 = arith.constant 1 : i32
      %dma_start3A_174 = arith.constant 128 : i32
      %dma_start3A_175 = arith.constant 0 : i32
      %dma_start3A_176 = tpu.memref_slice %arg6[%dma_start3A_174, %dma_start3A_175] : memref<512x128xf32, #tpu.memory_space<vmem>> -> memref<128x128xf32, #tpu.memory_space<vmem>>
      %dma_start3A_177 = arith.constant 0 : i32
      %dma_start3A_178 = tpu.memref_slice %arg4[%add3A_172, %dma_start3A_177] : memref<212992x128xf32, #tpu.memory_space<hbm>> -> memref<128x128xf32, #tpu.memory_space<hbm>>
      %dma_start3A_179 = tpu.memref_slice %arg8[%dma_start3A_173] : memref<4x!tpu.dma_semaphore, #tpu.memory_space<semaphore_mem>> -> memref<1x!tpu.dma_semaphore, #tpu.memory_space<semaphore_mem>>
      %dma_start3A_180 = tpu.memref_squeeze %dma_start3A_179 : memref<1x!tpu.dma_semaphore, #tpu.memory_space<semaphore_mem>> -> memref<!tpu.dma_semaphore, #tpu.memory_space<semaphore_mem>>
      %dma_start3A_181 = arith.constant 0 : i32
      %dma_start3A_182 = tpu.memref_slice %arg4[%add3A_172, %dma_start3A_181] : memref<212992x128xf32, #tpu.memory_space<hbm>> -> memref<128x128xf32, #tpu.memory_space<hbm>>
      %dma_start3A_183 = arith.constant 128 : i32
      %dma_start3A_184 = arith.constant 0 : i32
      %dma_start3A_185 = tpu.memref_slice %arg6[%dma_start3A_183, %dma_start3A_184] : memref<512x128xf32, #tpu.memory_space<vmem>> -> memref<128x128xf32, #tpu.memory_space<vmem>>
      tpu.enqueue_dma source(%dma_start3A_185 : memref<128x128xf32, #tpu.memory_space<vmem>>) target(%dma_start3A_182 : memref<128x128xf32, #tpu.memory_space<hbm>>) target_semaphore(%dma_start3A_180 : memref<!tpu.dma_semaphore, #tpu.memory_space<semaphore_mem>>)
      %add3A_186 = arith.constant 1 : i32
      %add3A_187 = arith.addi %add3A_113, %add3A_186 : i32
      %add3A_188 = arith.constant 4 : i32
      %add3A_189 = arith.addi %add3A_187, %add3A_188 : i32
      %lt3A_190 = arith.constant 52 : i32
      %lt3A_191 = arith.cmpi slt, %add3A_189, %lt3A_190 : i32
      %convert_element_type3A_192 = arith.extui %lt3A_191 : i1 to i32
      %cond3A_193 = arith.constant 0 : i32
      %cond3A_194 = arith.cmpi ne, %convert_element_type3A_192, %cond3A_193 : i32
      scf.if %cond3A_194 {
        %dma_wait3A_279 = arith.constant 1 : i32
        %dma_wait3A_280 = arith.constant 128 : i32
        %dma_wait3A_281 = arith.constant 0 : i32
        %dma_wait3A_282 = tpu.memref_slice %arg6[%dma_wait3A_280, %dma_wait3A_281] : memref<512x128xf32, #tpu.memory_space<vmem>> -> memref<128x128xf32, #tpu.memory_space<vmem>>
        %dma_wait3A_283 = arith.constant 0 : i32
        %dma_wait3A_284 = arith.constant 0 : i32
        %dma_wait3A_285 = tpu.memref_slice %arg4[%dma_wait3A_283, %dma_wait3A_284] : memref<212992x128xf32, #tpu.memory_space<hbm>> -> memref<128x128xf32, #tpu.memory_space<hbm>>
        %dma_wait3A_286 = tpu.memref_slice %arg8[%dma_wait3A_279] : memref<4x!tpu.dma_semaphore, #tpu.memory_space<semaphore_mem>> -> memref<1x!tpu.dma_semaphore, #tpu.memory_space<semaphore_mem>>
        %dma_wait3A_287 = tpu.memref_squeeze %dma_wait3A_286 : memref<1x!tpu.dma_semaphore, #tpu.memory_space<semaphore_mem>> -> memref<!tpu.dma_semaphore, #tpu.memory_space<semaphore_mem>>
        %dma_wait3A_288 = arith.constant 0 : i32
        %dma_wait3A_289 = arith.constant 0 : i32
        %dma_wait3A_290 = tpu.memref_slice %arg4[%dma_wait3A_288, %dma_wait3A_289] : memref<212992x128xf32, #tpu.memory_space<hbm>> -> memref<128x128xf32, #tpu.memory_space<hbm>>
        %dma_wait3A_291 = arith.constant 128 : i32
        %dma_wait3A_292 = arith.constant 0 : i32
        %dma_wait3A_293 = tpu.memref_slice %arg6[%dma_wait3A_291, %dma_wait3A_292] : memref<512x128xf32, #tpu.memory_space<vmem>> -> memref<128x128xf32, #tpu.memory_space<vmem>>
        tpu.wait_dma2 semaphore(%dma_wait3A_287 : memref<!tpu.dma_semaphore, #tpu.memory_space<semaphore_mem>>) src(%dma_wait3A_293 : memref<128x128xf32, #tpu.memory_space<vmem>>) dst(%dma_wait3A_290 : memref<128x128xf32, #tpu.memory_space<hbm>>)
        %add3A_294 = arith.constant 1 : i32
        %add3A_295 = arith.addi %add3A_113, %add3A_294 : i32
        %add3A_296 = arith.constant 4 : i32
        %add3A_297 = arith.addi %add3A_295, %add3A_296 : i32
        %mul3A_298 = arith.constant 128 : i32
        %mul3A_299 = arith.muli %add3A_297, %mul3A_298 : i32
        %dma_start3A_300 = arith.constant 1 : i32
        %dma_start3A_301 = arith.constant 128 : i32
        %dma_start3A_302 = arith.constant 0 : i32
        %dma_start3A_303 = tpu.memref_slice %arg6[%dma_start3A_301, %dma_start3A_302] : memref<512x128xf32, #tpu.memory_space<vmem>> -> memref<128x128xf32, #tpu.memory_space<vmem>>
        %dma_start3A_304 = tpu.memref_slice %arg5[%mul3A_299] : memref<6656xi32, #tpu.memory_space<vmem>> -> memref<128xi32, #tpu.memory_space<vmem>>
        %dma_start3A_305 = arith.constant 0 : i32
        %dma_start3A_306 = arith.constant 0 : i32
        %dma_start3A_307 = tpu.memref_slice %arg2[%dma_start3A_305, %dma_start3A_306] : memref<100000x128xf32, #tpu.memory_space<hbm>> -> memref<100000x128xf32, #tpu.memory_space<hbm>>
        %dma_start3A_308 = tpu.memref_slice %arg7[%dma_start3A_300] : memref<4x!tpu.dma_semaphore, #tpu.memory_space<semaphore_mem>> -> memref<1x!tpu.dma_semaphore, #tpu.memory_space<semaphore_mem>>
        %dma_start3A_309 = tpu.memref_squeeze %dma_start3A_308 : memref<1x!tpu.dma_semaphore, #tpu.memory_space<semaphore_mem>> -> memref<!tpu.dma_semaphore, #tpu.memory_space<semaphore_mem>>
        tpu.enqueue_indirect_dma source(%dma_start3A_307 : memref<100000x128xf32, #tpu.memory_space<hbm>>) target(%dma_start3A_303 : memref<128x128xf32, #tpu.memory_space<vmem>>) offsets(%dma_start3A_304 : memref<128xi32, #tpu.memory_space<vmem>>) semaphore(%dma_start3A_309 : memref<!tpu.dma_semaphore, #tpu.memory_space<semaphore_mem>>)
      } else {
      }
      %dma_wait3A_195 = arith.constant 2 : i32
      %dma_wait3A_196 = arith.constant 256 : i32
      %dma_wait3A_197 = arith.constant 0 : i32
      %dma_wait3A_198 = tpu.memref_slice %arg6[%dma_wait3A_196, %dma_wait3A_197] : memref<512x128xf32, #tpu.memory_space<vmem>> -> memref<128x128xf32, #tpu.memory_space<vmem>>
      %dma_wait3A_199 = arith.constant 0 : i32
      %dma_wait3A_200 = arith.constant 0 : i32
      %dma_wait3A_201 = tpu.memref_slice %arg2[%dma_wait3A_199, %dma_wait3A_200] : memref<100000x128xf32, #tpu.memory_space<hbm>> -> memref<128x128xf32, #tpu.memory_space<hbm>>
      %dma_wait3A_202 = tpu.memref_slice %arg7[%dma_wait3A_195] : memref<4x!tpu.dma_semaphore, #tpu.memory_space<semaphore_mem>> -> memref<1x!tpu.dma_semaphore, #tpu.memory_space<semaphore_mem>>
      %dma_wait3A_203 = tpu.memref_squeeze %dma_wait3A_202 : memref<1x!tpu.dma_semaphore, #tpu.memory_space<semaphore_mem>> -> memref<!tpu.dma_semaphore, #tpu.memory_space<semaphore_mem>>
      %dma_wait3A_204 = arith.constant 256 : i32
      %dma_wait3A_205 = arith.constant 0 : i32
      %dma_wait3A_206 = tpu.memref_slice %arg6[%dma_wait3A_204, %dma_wait3A_205] : memref<512x128xf32, #tpu.memory_space<vmem>> -> memref<128x128xf32, #tpu.memory_space<vmem>>
      %dma_wait3A_207 = arith.constant 0 : i32
      %dma_wait3A_208 = arith.constant 0 : i32
      %dma_wait3A_209 = tpu.memref_slice %arg2[%dma_wait3A_207, %dma_wait3A_208] : memref<100000x128xf32, #tpu.memory_space<hbm>> -> memref<128x128xf32, #tpu.memory_space<hbm>>
      tpu.wait_dma2 semaphore(%dma_wait3A_203 : memref<!tpu.dma_semaphore, #tpu.memory_space<semaphore_mem>>) src(%dma_wait3A_209 : memref<128x128xf32, #tpu.memory_space<hbm>>) dst(%dma_wait3A_206 : memref<128x128xf32, #tpu.memory_space<vmem>>)
      %add3A_210 = arith.constant 2 : i32
      %add3A_211 = arith.addi %add3A_113, %add3A_210 : i32
      %mul3A_212 = arith.constant 128 : i32
      %mul3A_213 = arith.muli %add3A_211, %mul3A_212 : i32
      %add3A_214 = arith.addi %mul3A_2, %mul3A_213 : i32
      %dma_start3A_215 = arith.constant 2 : i32
      %dma_start3A_216 = arith.constant 256 : i32
      %dma_start3A_217 = arith.constant 0 : i32
      %dma_start3A_218 = tpu.memref_slice %arg6[%dma_start3A_216, %dma_start3A_217] : memref<512x128xf32, #tpu.memory_space<vmem>> -> memref<128x128xf32, #tpu.memory_space<vmem>>
      %dma_start3A_219 = arith.constant 0 : i32
      %dma_start3A_220 = tpu.memref_slice %arg4[%add3A_214, %dma_start3A_219] : memref<212992x128xf32, #tpu.memory_space<hbm>> -> memref<128x128xf32, #tpu.memory_space<hbm>>
      %dma_start3A_221 = tpu.memref_slice %arg8[%dma_start3A_215] : memref<4x!tpu.dma_semaphore, #tpu.memory_space<semaphore_mem>> -> memref<1x!tpu.dma_semaphore, #tpu.memory_space<semaphore_mem>>
      %dma_start3A_222 = tpu.memref_squeeze %dma_start3A_221 : memref<1x!tpu.dma_semaphore, #tpu.memory_space<semaphore_mem>> -> memref<!tpu.dma_semaphore, #tpu.memory_space<semaphore_mem>>
      %dma_start3A_223 = arith.constant 0 : i32
      %dma_start3A_224 = tpu.memref_slice %arg4[%add3A_214, %dma_start3A_223] : memref<212992x128xf32, #tpu.memory_space<hbm>> -> memref<128x128xf32, #tpu.memory_space<hbm>>
      %dma_start3A_225 = arith.constant 256 : i32
      %dma_start3A_226 = arith.constant 0 : i32
      %dma_start3A_227 = tpu.memref_slice %arg6[%dma_start3A_225, %dma_start3A_226] : memref<512x128xf32, #tpu.memory_space<vmem>> -> memref<128x128xf32, #tpu.memory_space<vmem>>
      tpu.enqueue_dma source(%dma_start3A_227 : memref<128x128xf32, #tpu.memory_space<vmem>>) target(%dma_start3A_224 : memref<128x128xf32, #tpu.memory_space<hbm>>) target_semaphore(%dma_start3A_222 : memref<!tpu.dma_semaphore, #tpu.memory_space<semaphore_mem>>)
      %add3A_228 = arith.constant 2 : i32
      %add3A_229 = arith.addi %add3A_113, %add3A_228 : i32
      %add3A_230 = arith.constant 4 : i32
      %add3A_231 = arith.addi %add3A_229, %add3A_230 : i32
      %lt3A_232 = arith.constant 52 : i32
      %lt3A_233 = arith.cmpi slt, %add3A_231, %lt3A_232 : i32
      %convert_element_type3A_234 = arith.extui %lt3A_233 : i1 to i32
      %cond3A_235 = arith.constant 0 : i32
      %cond3A_236 = arith.cmpi ne, %convert_element_type3A_234, %cond3A_235 : i32
      scf.if %cond3A_236 {
        %dma_wait3A_279 = arith.constant 2 : i32
        %dma_wait3A_280 = arith.constant 256 : i32
        %dma_wait3A_281 = arith.constant 0 : i32
        %dma_wait3A_282 = tpu.memref_slice %arg6[%dma_wait3A_280, %dma_wait3A_281] : memref<512x128xf32, #tpu.memory_space<vmem>> -> memref<128x128xf32, #tpu.memory_space<vmem>>
        %dma_wait3A_283 = arith.constant 0 : i32
        %dma_wait3A_284 = arith.constant 0 : i32
        %dma_wait3A_285 = tpu.memref_slice %arg4[%dma_wait3A_283, %dma_wait3A_284] : memref<212992x128xf32, #tpu.memory_space<hbm>> -> memref<128x128xf32, #tpu.memory_space<hbm>>
        %dma_wait3A_286 = tpu.memref_slice %arg8[%dma_wait3A_279] : memref<4x!tpu.dma_semaphore, #tpu.memory_space<semaphore_mem>> -> memref<1x!tpu.dma_semaphore, #tpu.memory_space<semaphore_mem>>
        %dma_wait3A_287 = tpu.memref_squeeze %dma_wait3A_286 : memref<1x!tpu.dma_semaphore, #tpu.memory_space<semaphore_mem>> -> memref<!tpu.dma_semaphore, #tpu.memory_space<semaphore_mem>>
        %dma_wait3A_288 = arith.constant 0 : i32
        %dma_wait3A_289 = arith.constant 0 : i32
        %dma_wait3A_290 = tpu.memref_slice %arg4[%dma_wait3A_288, %dma_wait3A_289] : memref<212992x128xf32, #tpu.memory_space<hbm>> -> memref<128x128xf32, #tpu.memory_space<hbm>>
        %dma_wait3A_291 = arith.constant 256 : i32
        %dma_wait3A_292 = arith.constant 0 : i32
        %dma_wait3A_293 = tpu.memref_slice %arg6[%dma_wait3A_291, %dma_wait3A_292] : memref<512x128xf32, #tpu.memory_space<vmem>> -> memref<128x128xf32, #tpu.memory_space<vmem>>
        tpu.wait_dma2 semaphore(%dma_wait3A_287 : memref<!tpu.dma_semaphore, #tpu.memory_space<semaphore_mem>>) src(%dma_wait3A_293 : memref<128x128xf32, #tpu.memory_space<vmem>>) dst(%dma_wait3A_290 : memref<128x128xf32, #tpu.memory_space<hbm>>)
        %add3A_294 = arith.constant 2 : i32
        %add3A_295 = arith.addi %add3A_113, %add3A_294 : i32
        %add3A_296 = arith.constant 4 : i32
        %add3A_297 = arith.addi %add3A_295, %add3A_296 : i32
        %mul3A_298 = arith.constant 128 : i32
        %mul3A_299 = arith.muli %add3A_297, %mul3A_298 : i32
        %dma_start3A_300 = arith.constant 2 : i32
        %dma_start3A_301 = arith.constant 256 : i32
        %dma_start3A_302 = arith.constant 0 : i32
        %dma_start3A_303 = tpu.memref_slice %arg6[%dma_start3A_301, %dma_start3A_302] : memref<512x128xf32, #tpu.memory_space<vmem>> -> memref<128x128xf32, #tpu.memory_space<vmem>>
        %dma_start3A_304 = tpu.memref_slice %arg5[%mul3A_299] : memref<6656xi32, #tpu.memory_space<vmem>> -> memref<128xi32, #tpu.memory_space<vmem>>
        %dma_start3A_305 = arith.constant 0 : i32
        %dma_start3A_306 = arith.constant 0 : i32
        %dma_start3A_307 = tpu.memref_slice %arg2[%dma_start3A_305, %dma_start3A_306] : memref<100000x128xf32, #tpu.memory_space<hbm>> -> memref<100000x128xf32, #tpu.memory_space<hbm>>
        %dma_start3A_308 = tpu.memref_slice %arg7[%dma_start3A_300] : memref<4x!tpu.dma_semaphore, #tpu.memory_space<semaphore_mem>> -> memref<1x!tpu.dma_semaphore, #tpu.memory_space<semaphore_mem>>
        %dma_start3A_309 = tpu.memref_squeeze %dma_start3A_308 : memref<1x!tpu.dma_semaphore, #tpu.memory_space<semaphore_mem>> -> memref<!tpu.dma_semaphore, #tpu.memory_space<semaphore_mem>>
        tpu.enqueue_indirect_dma source(%dma_start3A_307 : memref<100000x128xf32, #tpu.memory_space<hbm>>) target(%dma_start3A_303 : memref<128x128xf32, #tpu.memory_space<vmem>>) offsets(%dma_start3A_304 : memref<128xi32, #tpu.memory_space<vmem>>) semaphore(%dma_start3A_309 : memref<!tpu.dma_semaphore, #tpu.memory_space<semaphore_mem>>)
      } else {
      }
      %dma_wait3A_237 = arith.constant 3 : i32
      %dma_wait3A_238 = arith.constant 384 : i32
      %dma_wait3A_239 = arith.constant 0 : i32
      %dma_wait3A_240 = tpu.memref_slice %arg6[%dma_wait3A_238, %dma_wait3A_239] : memref<512x128xf32, #tpu.memory_space<vmem>> -> memref<128x128xf32, #tpu.memory_space<vmem>>
      %dma_wait3A_241 = arith.constant 0 : i32
      %dma_wait3A_242 = arith.constant 0 : i32
      %dma_wait3A_243 = tpu.memref_slice %arg2[%dma_wait3A_241, %dma_wait3A_242] : memref<100000x128xf32, #tpu.memory_space<hbm>> -> memref<128x128xf32, #tpu.memory_space<hbm>>
      %dma_wait3A_244 = tpu.memref_slice %arg7[%dma_wait3A_237] : memref<4x!tpu.dma_semaphore, #tpu.memory_space<semaphore_mem>> -> memref<1x!tpu.dma_semaphore, #tpu.memory_space<semaphore_mem>>
      %dma_wait3A_245 = tpu.memref_squeeze %dma_wait3A_244 : memref<1x!tpu.dma_semaphore, #tpu.memory_space<semaphore_mem>> -> memref<!tpu.dma_semaphore, #tpu.memory_space<semaphore_mem>>
      %dma_wait3A_246 = arith.constant 384 : i32
      %dma_wait3A_247 = arith.constant 0 : i32
      %dma_wait3A_248 = tpu.memref_slice %arg6[%dma_wait3A_246, %dma_wait3A_247] : memref<512x128xf32, #tpu.memory_space<vmem>> -> memref<128x128xf32, #tpu.memory_space<vmem>>
      %dma_wait3A_249 = arith.constant 0 : i32
      %dma_wait3A_250 = arith.constant 0 : i32
      %dma_wait3A_251 = tpu.memref_slice %arg2[%dma_wait3A_249, %dma_wait3A_250] : memref<100000x128xf32, #tpu.memory_space<hbm>> -> memref<128x128xf32, #tpu.memory_space<hbm>>
      tpu.wait_dma2 semaphore(%dma_wait3A_245 : memref<!tpu.dma_semaphore, #tpu.memory_space<semaphore_mem>>) src(%dma_wait3A_251 : memref<128x128xf32, #tpu.memory_space<hbm>>) dst(%dma_wait3A_248 : memref<128x128xf32, #tpu.memory_space<vmem>>)
      %add3A_252 = arith.constant 3 : i32
      %add3A_253 = arith.addi %add3A_113, %add3A_252 : i32
      %mul3A_254 = arith.constant 128 : i32
      %mul3A_255 = arith.muli %add3A_253, %mul3A_254 : i32
      %add3A_256 = arith.addi %mul3A_2, %mul3A_255 : i32
      %dma_start3A_257 = arith.constant 3 : i32
      %dma_start3A_258 = arith.constant 384 : i32
      %dma_start3A_259 = arith.constant 0 : i32
      %dma_start3A_260 = tpu.memref_slice %arg6[%dma_start3A_258, %dma_start3A_259] : memref<512x128xf32, #tpu.memory_space<vmem>> -> memref<128x128xf32, #tpu.memory_space<vmem>>
      %dma_start3A_261 = arith.constant 0 : i32
      %dma_start3A_262 = tpu.memref_slice %arg4[%add3A_256, %dma_start3A_261] : memref<212992x128xf32, #tpu.memory_space<hbm>> -> memref<128x128xf32, #tpu.memory_space<hbm>>
      %dma_start3A_263 = tpu.memref_slice %arg8[%dma_start3A_257] : memref<4x!tpu.dma_semaphore, #tpu.memory_space<semaphore_mem>> -> memref<1x!tpu.dma_semaphore, #tpu.memory_space<semaphore_mem>>
      %dma_start3A_264 = tpu.memref_squeeze %dma_start3A_263 : memref<1x!tpu.dma_semaphore, #tpu.memory_space<semaphore_mem>> -> memref<!tpu.dma_semaphore, #tpu.memory_space<semaphore_mem>>
      %dma_start3A_265 = arith.constant 0 : i32
      %dma_start3A_266 = tpu.memref_slice %arg4[%add3A_256, %dma_start3A_265] : memref<212992x128xf32, #tpu.memory_space<hbm>> -> memref<128x128xf32, #tpu.memory_space<hbm>>
      %dma_start3A_267 = arith.constant 384 : i32
      %dma_start3A_268 = arith.constant 0 : i32
      %dma_start3A_269 = tpu.memref_slice %arg6[%dma_start3A_267, %dma_start3A_268] : memref<512x128xf32, #tpu.memory_space<vmem>> -> memref<128x128xf32, #tpu.memory_space<vmem>>
      tpu.enqueue_dma source(%dma_start3A_269 : memref<128x128xf32, #tpu.memory_space<vmem>>) target(%dma_start3A_266 : memref<128x128xf32, #tpu.memory_space<hbm>>) target_semaphore(%dma_start3A_264 : memref<!tpu.dma_semaphore, #tpu.memory_space<semaphore_mem>>)
      %add3A_270 = arith.constant 3 : i32
      %add3A_271 = arith.addi %add3A_113, %add3A_270 : i32
      %add3A_272 = arith.constant 4 : i32
      %add3A_273 = arith.addi %add3A_271, %add3A_272 : i32
      %lt3A_274 = arith.constant 52 : i32
      %lt3A_275 = arith.cmpi slt, %add3A_273, %lt3A_274 : i32
      %convert_element_type3A_276 = arith.extui %lt3A_275 : i1 to i32
      %cond3A_277 = arith.constant 0 : i32
      %cond3A_278 = arith.cmpi ne, %convert_element_type3A_276, %cond3A_277 : i32
      scf.if %cond3A_278 {
        %dma_wait3A_279 = arith.constant 3 : i32
        %dma_wait3A_280 = arith.constant 384 : i32
        %dma_wait3A_281 = arith.constant 0 : i32
        %dma_wait3A_282 = tpu.memref_slice %arg6[%dma_wait3A_280, %dma_wait3A_281] : memref<512x128xf32, #tpu.memory_space<vmem>> -> memref<128x128xf32, #tpu.memory_space<vmem>>
        %dma_wait3A_283 = arith.constant 0 : i32
        %dma_wait3A_284 = arith.constant 0 : i32
        %dma_wait3A_285 = tpu.memref_slice %arg4[%dma_wait3A_283, %dma_wait3A_284] : memref<212992x128xf32, #tpu.memory_space<hbm>> -> memref<128x128xf32, #tpu.memory_space<hbm>>
        %dma_wait3A_286 = tpu.memref_slice %arg8[%dma_wait3A_279] : memref<4x!tpu.dma_semaphore, #tpu.memory_space<semaphore_mem>> -> memref<1x!tpu.dma_semaphore, #tpu.memory_space<semaphore_mem>>
        %dma_wait3A_287 = tpu.memref_squeeze %dma_wait3A_286 : memref<1x!tpu.dma_semaphore, #tpu.memory_space<semaphore_mem>> -> memref<!tpu.dma_semaphore, #tpu.memory_space<semaphore_mem>>
        %dma_wait3A_288 = arith.constant 0 : i32
        %dma_wait3A_289 = arith.constant 0 : i32
        %dma_wait3A_290 = tpu.memref_slice %arg4[%dma_wait3A_288, %dma_wait3A_289] : memref<212992x128xf32, #tpu.memory_space<hbm>> -> memref<128x128xf32, #tpu.memory_space<hbm>>
        %dma_wait3A_291 = arith.constant 384 : i32
        %dma_wait3A_292 = arith.constant 0 : i32
        %dma_wait3A_293 = tpu.memref_slice %arg6[%dma_wait3A_291, %dma_wait3A_292] : memref<512x128xf32, #tpu.memory_space<vmem>> -> memref<128x128xf32, #tpu.memory_space<vmem>>
        tpu.wait_dma2 semaphore(%dma_wait3A_287 : memref<!tpu.dma_semaphore, #tpu.memory_space<semaphore_mem>>) src(%dma_wait3A_293 : memref<128x128xf32, #tpu.memory_space<vmem>>) dst(%dma_wait3A_290 : memref<128x128xf32, #tpu.memory_space<hbm>>)
        %add3A_294 = arith.constant 3 : i32
        %add3A_295 = arith.addi %add3A_113, %add3A_294 : i32
        %add3A_296 = arith.constant 4 : i32
        %add3A_297 = arith.addi %add3A_295, %add3A_296 : i32
        %mul3A_298 = arith.constant 128 : i32
        %mul3A_299 = arith.muli %add3A_297, %mul3A_298 : i32
        %dma_start3A_300 = arith.constant 3 : i32
        %dma_start3A_301 = arith.constant 384 : i32
        %dma_start3A_302 = arith.constant 0 : i32
        %dma_start3A_303 = tpu.memref_slice %arg6[%dma_start3A_301, %dma_start3A_302] : memref<512x128xf32, #tpu.memory_space<vmem>> -> memref<128x128xf32, #tpu.memory_space<vmem>>
        %dma_start3A_304 = tpu.memref_slice %arg5[%mul3A_299] : memref<6656xi32, #tpu.memory_space<vmem>> -> memref<128xi32, #tpu.memory_space<vmem>>
        %dma_start3A_305 = arith.constant 0 : i32
        %dma_start3A_306 = arith.constant 0 : i32
        %dma_start3A_307 = tpu.memref_slice %arg2[%dma_start3A_305, %dma_start3A_306] : memref<100000x128xf32, #tpu.memory_space<hbm>> -> memref<100000x128xf32, #tpu.memory_space<hbm>>
        %dma_start3A_308 = tpu.memref_slice %arg7[%dma_start3A_300] : memref<4x!tpu.dma_semaphore, #tpu.memory_space<semaphore_mem>> -> memref<1x!tpu.dma_semaphore, #tpu.memory_space<semaphore_mem>>
        %dma_start3A_309 = tpu.memref_squeeze %dma_start3A_308 : memref<1x!tpu.dma_semaphore, #tpu.memory_space<semaphore_mem>> -> memref<!tpu.dma_semaphore, #tpu.memory_space<semaphore_mem>>
        tpu.enqueue_indirect_dma source(%dma_start3A_307 : memref<100000x128xf32, #tpu.memory_space<hbm>>) target(%dma_start3A_303 : memref<128x128xf32, #tpu.memory_space<vmem>>) offsets(%dma_start3A_304 : memref<128xi32, #tpu.memory_space<vmem>>) semaphore(%dma_start3A_309 : memref<!tpu.dma_semaphore, #tpu.memory_space<semaphore_mem>>)
      } else {
      }
    }
    %scan3A_49 = arith.constant 13 : i32
    %dma_wait3A = arith.constant 0 : i32
    %dma_wait3A_50 = arith.constant 0 : i32
    %dma_wait3A_51 = arith.constant 0 : i32
    %dma_wait3A_52 = tpu.memref_slice %arg6[%dma_wait3A_50, %dma_wait3A_51] : memref<512x128xf32, #tpu.memory_space<vmem>> -> memref<128x128xf32, #tpu.memory_space<vmem>>
    %dma_wait3A_53 = arith.constant 0 : i32
    %dma_wait3A_54 = arith.constant 0 : i32
    %dma_wait3A_55 = tpu.memref_slice %arg4[%dma_wait3A_53, %dma_wait3A_54] : memref<212992x128xf32, #tpu.memory_space<hbm>> -> memref<128x128xf32, #tpu.memory_space<hbm>>
    %dma_wait3A_56 = tpu.memref_slice %arg8[%dma_wait3A] : memref<4x!tpu.dma_semaphore, #tpu.memory_space<semaphore_mem>> -> memref<1x!tpu.dma_semaphore, #tpu.memory_space<semaphore_mem>>
    %dma_wait3A_57 = tpu.memref_squeeze %dma_wait3A_56 : memref<1x!tpu.dma_semaphore, #tpu.memory_space<semaphore_mem>> -> memref<!tpu.dma_semaphore, #tpu.memory_space<semaphore_mem>>
    %dma_wait3A_58 = arith.constant 0 : i32
    %dma_wait3A_59 = arith.constant 0 : i32
    %dma_wait3A_60 = tpu.memref_slice %arg4[%dma_wait3A_58, %dma_wait3A_59] : memref<212992x128xf32, #tpu.memory_space<hbm>> -> memref<128x128xf32, #tpu.memory_space<hbm>>
    %dma_wait3A_61 = arith.constant 0 : i32
    %dma_wait3A_62 = arith.constant 0 : i32
    %dma_wait3A_63 = tpu.memref_slice %arg6[%dma_wait3A_61, %dma_wait3A_62] : memref<512x128xf32, #tpu.memory_space<vmem>> -> memref<128x128xf32, #tpu.memory_space<vmem>>
    tpu.wait_dma2 semaphore(%dma_wait3A_57 : memref<!tpu.dma_semaphore, #tpu.memory_space<semaphore_mem>>) src(%dma_wait3A_63 : memref<128x128xf32, #tpu.memory_space<vmem>>) dst(%dma_wait3A_60 : memref<128x128xf32, #tpu.memory_space<hbm>>)
    %dma_wait3A_64 = arith.constant 1 : i32
    %dma_wait3A_65 = arith.constant 128 : i32
    %dma_wait3A_66 = arith.constant 0 : i32
    %dma_wait3A_67 = tpu.memref_slice %arg6[%dma_wait3A_65, %dma_wait3A_66] : memref<512x128xf32, #tpu.memory_space<vmem>> -> memref<128x128xf32, #tpu.memory_space<vmem>>
    %dma_wait3A_68 = arith.constant 0 : i32
    %dma_wait3A_69 = arith.constant 0 : i32
    %dma_wait3A_70 = tpu.memref_slice %arg4[%dma_wait3A_68, %dma_wait3A_69] : memref<212992x128xf32, #tpu.memory_space<hbm>> -> memref<128x128xf32, #tpu.memory_space<hbm>>
    %dma_wait3A_71 = tpu.memref_slice %arg8[%dma_wait3A_64] : memref<4x!tpu.dma_semaphore, #tpu.memory_space<semaphore_mem>> -> memref<1x!tpu.dma_semaphore, #tpu.memory_space<semaphore_mem>>
    %dma_wait3A_72 = tpu.memref_squeeze %dma_wait3A_71 : memref<1x!tpu.dma_semaphore, #tpu.memory_space<semaphore_mem>> -> memref<!tpu.dma_semaphore, #tpu.memory_space<semaphore_mem>>
    %dma_wait3A_73 = arith.constant 0 : i32
    %dma_wait3A_74 = arith.constant 0 : i32
    %dma_wait3A_75 = tpu.memref_slice %arg4[%dma_wait3A_73, %dma_wait3A_74] : memref<212992x128xf32, #tpu.memory_space<hbm>> -> memref<128x128xf32, #tpu.memory_space<hbm>>
    %dma_wait3A_76 = arith.constant 128 : i32
    %dma_wait3A_77 = arith.constant 0 : i32
    %dma_wait3A_78 = tpu.memref_slice %arg6[%dma_wait3A_76, %dma_wait3A_77] : memref<512x128xf32, #tpu.memory_space<vmem>> -> memref<128x128xf32, #tpu.memory_space<vmem>>
    tpu.wait_dma2 semaphore(%dma_wait3A_72 : memref<!tpu.dma_semaphore, #tpu.memory_space<semaphore_mem>>) src(%dma_wait3A_78 : memref<128x128xf32, #tpu.memory_space<vmem>>) dst(%dma_wait3A_75 : memref<128x128xf32, #tpu.memory_space<hbm>>)
    %dma_wait3A_79 = arith.constant 2 : i32
    %dma_wait3A_80 = arith.constant 256 : i32
    %dma_wait3A_81 = arith.constant 0 : i32
    %dma_wait3A_82 = tpu.memref_slice %arg6[%dma_wait3A_80, %dma_wait3A_81] : memref<512x128xf32, #tpu.memory_space<vmem>> -> memref<128x128xf32, #tpu.memory_space<vmem>>
    %dma_wait3A_83 = arith.constant 0 : i32
    %dma_wait3A_84 = arith.constant 0 : i32
    %dma_wait3A_85 = tpu.memref_slice %arg4[%dma_wait3A_83, %dma_wait3A_84] : memref<212992x128xf32, #tpu.memory_space<hbm>> -> memref<128x128xf32, #tpu.memory_space<hbm>>
    %dma_wait3A_86 = tpu.memref_slice %arg8[%dma_wait3A_79] : memref<4x!tpu.dma_semaphore, #tpu.memory_space<semaphore_mem>> -> memref<1x!tpu.dma_semaphore, #tpu.memory_space<semaphore_mem>>
    %dma_wait3A_87 = tpu.memref_squeeze %dma_wait3A_86 : memref<1x!tpu.dma_semaphore, #tpu.memory_space<semaphore_mem>> -> memref<!tpu.dma_semaphore, #tpu.memory_space<semaphore_mem>>
    %dma_wait3A_88 = arith.constant 0 : i32
    %dma_wait3A_89 = arith.constant 0 : i32
    %dma_wait3A_90 = tpu.memref_slice %arg4[%dma_wait3A_88, %dma_wait3A_89] : memref<212992x128xf32, #tpu.memory_space<hbm>> -> memref<128x128xf32, #tpu.memory_space<hbm>>
    %dma_wait3A_91 = arith.constant 256 : i32
    %dma_wait3A_92 = arith.constant 0 : i32
    %dma_wait3A_93 = tpu.memref_slice %arg6[%dma_wait3A_91, %dma_wait3A_92] : memref<512x128xf32, #tpu.memory_space<vmem>> -> memref<128x128xf32, #tpu.memory_space<vmem>>
    tpu.wait_dma2 semaphore(%dma_wait3A_87 : memref<!tpu.dma_semaphore, #tpu.memory_space<semaphore_mem>>) src(%dma_wait3A_93 : memref<128x128xf32, #tpu.memory_space<vmem>>) dst(%dma_wait3A_90 : memref<128x128xf32, #tpu.memory_space<hbm>>)
    %dma_wait3A_94 = arith.constant 3 : i32
    %dma_wait3A_95 = arith.constant 384 : i32
    %dma_wait3A_96 = arith.constant 0 : i32
    %dma_wait3A_97 = tpu.memref_slice %arg6[%dma_wait3A_95, %dma_wait3A_96] : memref<512x128xf32, #tpu.memory_space<vmem>> -> memref<128x128xf32, #tpu.memory_space<vmem>>
    %dma_wait3A_98 = arith.constant 0 : i32
    %dma_wait3A_99 = arith.constant 0 : i32
    %dma_wait3A_100 = tpu.memref_slice %arg4[%dma_wait3A_98, %dma_wait3A_99] : memref<212992x128xf32, #tpu.memory_space<hbm>> -> memref<128x128xf32, #tpu.memory_space<hbm>>
    %dma_wait3A_101 = tpu.memref_slice %arg8[%dma_wait3A_94] : memref<4x!tpu.dma_semaphore, #tpu.memory_space<semaphore_mem>> -> memref<1x!tpu.dma_semaphore, #tpu.memory_space<semaphore_mem>>
    %dma_wait3A_102 = tpu.memref_squeeze %dma_wait3A_101 : memref<1x!tpu.dma_semaphore, #tpu.memory_space<semaphore_mem>> -> memref<!tpu.dma_semaphore, #tpu.memory_space<semaphore_mem>>
    %dma_wait3A_103 = arith.constant 0 : i32
    %dma_wait3A_104 = arith.constant 0 : i32
    %dma_wait3A_105 = tpu.memref_slice %arg4[%dma_wait3A_103, %dma_wait3A_104] : memref<212992x128xf32, #tpu.memory_space<hbm>> -> memref<128x128xf32, #tpu.memory_space<hbm>>
    %dma_wait3A_106 = arith.constant 384 : i32
    %dma_wait3A_107 = arith.constant 0 : i32
    %dma_wait3A_108 = tpu.memref_slice %arg6[%dma_wait3A_106, %dma_wait3A_107] : memref<512x128xf32, #tpu.memory_space<vmem>> -> memref<128x128xf32, #tpu.memory_space<vmem>>
    tpu.wait_dma2 semaphore(%dma_wait3A_102 : memref<!tpu.dma_semaphore, #tpu.memory_space<semaphore_mem>>) src(%dma_wait3A_108 : memref<128x128xf32, #tpu.memory_space<vmem>>) dst(%dma_wait3A_105 : memref<128x128xf32, #tpu.memory_space<hbm>>)
    return
  }
}

</mosaic_0001>

<sc_bundles>
// kernel: kernel.4.cloned.1.call-start
scs
__scs_entry_jumppad:
0x0: {  	(pc) =	sbr.rel $0x88, $3  }
0x1: {  	(tag) =	ssettag $0x0;
	lr =	simm.s32 $0x1  }
0x2: {  	[smem:$0x3F9F] =	sst lr;
	_ =	strace $0xD0000000  }
0x3: {  	_ = 	snop  }
0x4: {  	_ = 	snop  }
0x5: {  	_ = 	snop  }
0x6: {  	_ = 	snop  }
0x7: {  	_ = 	snop  }
__scs_overlays_trampoline_lowered:
0x8: {  	[smem:$0x3FAE] =	sst s0  }
0x9: {  	[smem:$0x3FAF] =	sst s1  }
0xa: {  	[smem:$0x3FB0] =	sst s2  }
0xb: {  	[smem:$0x3FB1] =	sst s3  }
0xc: {  	[smem:$0x3FB2] =	sst s4  }
0xd: {  	[smem:$0x3FB3] =	sst s5  }
0xe: {  	[smem:$0x3FB4] =	sst s6  }
0xf: {  	[smem:$0x3FB5] =	sst s7  }
0x10: {  	[smem:$0x3FB6] =	sst s8  }
0x11: {  	[smem:$0x3FB7] =	sst s9;
	s0 =	simm.s32 @!p0 $0x0  }
0x12: {  	s1 =	sld [smem:$0x3F9D];
	s0 =	simm.s32 @p0 $0x1  }
0x13: {  	[smem:$0x3FB8] =	sst s0;
	s0 =	simm.s32 @!p1 $0x0  }
0x14: {  	s2 =	sld [smem:$0x3F9C];
	s0 =	simm.s32 @p1 $0x1  }
0x15: {  	[smem:$0x3FB9] =	sst s0;
	s0 =	simm.s32 @!p2 $0x0  }
0x16: {  	s3 =	sld [smem:$0x3FDB];
	s0 =	simm.s32 @p2 $0x1  }
0x17: {  	s4 =	simm.s32 $0x1BF5;
	[smem:$0x3FBB] =	sst s0  }
0x18: {  	s0 =	sld [smem:$0x3F9E];
	_ =	swait.ge [sflag:s4], $0x0  }
0x19: {  	s7 =	sld [smem:$0x3F9F]  }
0x1a: {  	s8 =	sadd.s32 $0xFFFFE003, lr  }
0x1b: {  	s9 =	sadd.s32 $0xFFFFFEF7, lr;
	s5 =	simm.s32 $0xFFFFFFFF;
	p2 =	slt.u32 s8, $0xFFFFF086  }
0x1c: {  	p1 =	slt.u32 s9, $0xF7A;
	s5 =	simm.s32 @!p2 $0x0  }
0x1d: {  	s5 =	simm.s32 @p1 $0x1;
	p0 =	seq.s32 s7, s2  }
0x1e: {  	s7 =	smul.u32 @!p0 $0xF7A, s2;
	p2 =	seq.s32 @!p0 s5, $0x0  }
0x1f: {  	s9 =	smul.u32 $0xF7A, s1;
	s8 =	simm.s32 @!p0 $0x1BF5;
	p2 =	por !p2, p0  }
0x20: {  	[sflag:s8] =	ssyncset.s32 @!p0 $0xFFFFF086;
	s6 =	sadd.s32 @!p0 s3, s7;
	s7 =	simm.s32 @!p0 $0x108  }
0x21: {  	s3 =	sadd.s32 s3, s9;
	s6 =	sadd.s32 @!p0 $0x88, s6;
	s7 =	simm.s32 @p2 $0x1082  }
0x22: {  	[simem:s7], [sflag:s8] =	dma.local @!p0 [hbm:s6], $0xF7A  }
0x23: {  	s9 =	sor.u32 $0xD0000000, s2;
	s6 =	simm.s32 $0x108;
	_ =	swait.ge @!p0 [sflag:s8], $0x0  }
0x24: {  	s3 =	sadd.s32 $0x88, s3;
	s6 =	simm.s32 @!p1 $0x1082;
	[sflag:s4] =	ssyncset.s32 $0xFFFFF086  }
0x25: {  	[simem:s6], [sflag:s4] =	dma.local [hbm:s3], $0xF7A  }
0x26: {  	[smem:$0x3F9F] =	sst s1;
	(tag) =	ssettag s2;
	_ =	strace s9  }
0x27: {  	s1 =	sld [smem:$0x3FAF]  }
0x28: {  	s2 =	sld [smem:$0x3FB0]  }
0x29: {  	s4 =	sld [smem:$0x3FB2]  }
0x2a: {  	p0 =	seq.s32 s5, $0x0;
	s5 =	sld [smem:$0x3FB3]  }
0x2b: {  	s6 =	sld [smem:$0x3FB4]  }
0x2c: {  	s7 =	sld [smem:$0x3FB5]  }
0x2d: {  	s3 =	simm.s32 $0x108;
	s8 =	sld [smem:$0x3FB6]  }
0x2e: {  	s3 =	simm.s32 @!p0 $0x1082;
	s9 =	sld [smem:$0x3FB7]  }
0x2f: {  	lr =	sadd.s32 s0, s3;
	s0 =	sld [smem:$0x3FAE]  }
0x30: {  	s3 =	sld [smem:$0x3FB1]  }
0x31: {  	[smem:$0x3FBA] =	sst s10  }
0x32: {  	s10 =	sld [smem:$0x3FB8];
	_ =	sdelay $0x3  }
0x33: {  	p0 =	seq.s32 s10, $0x1;
	s10 =	sld [smem:$0x3FBA];
	_ =	sdelay $0x3  }
0x34: {  	[smem:$0x3FBA] =	sst s10  }
0x35: {  	s10 =	sld [smem:$0x3FB9];
	_ =	sdelay $0x3  }
0x36: {  	p1 =	seq.s32 s10, $0x1;
	s10 =	sld [smem:$0x3FBA];
	_ =	sdelay $0x3  }
0x37: {  	[smem:$0x3FBA] =	sst s10  }
0x38: {  	s10 =	sld [smem:$0x3FBB]  }
0x39: {  	_ = 	snop;
	(pc) =	sbr.ind lr, $3  }
0x3a: {  	_ = 	snop  }
0x3b: {  	_ = 	snop  }
0x3c: {  	p2 =	seq.s32 s10, $0x1;
	s10 =	sld [smem:$0x3FBA]  }
0x3d: {  	_ =	shalt  }
0x3e: {  	_ =	shalt  }
0x3f: {  	_ =	shalt  }
0x40: {  	_ =	shalt  }
0x41: {  	_ =	shalt  }
0x42: {  	_ =	shalt  }
0x43: {  	_ =	shalt  }
0x44: {  	_ =	shalt  }
0x45: {  	_ =	shalt  }
0x46: {  	_ =	shalt  }
0x47: {  	_ =	shalt  }
0x48: {  	_ =	shalt  }
0x49: {  	_ =	shalt  }
0x4a: {  	_ =	shalt  }
0x4b: {  	_ =	shalt  }
0x4c: {  	_ =	shalt  }
0x4d: {  	_ =	shalt  }
0x4e: {  	_ =	shalt  }
0x4f: {  	_ =	shalt  }
0x50: {  	_ =	shalt  }
0x51: {  	_ =	shalt  }
0x52: {  	_ =	shalt  }
0x53: {  	_ =	shalt  }
0x54: {  	_ =	shalt  }
0x55: {  	_ =	shalt  }
0x56: {  	_ =	shalt  }
0x57: {  	_ =	shalt  }
0x58: {  	_ =	shalt  }
0x59: {  	_ =	shalt  }
0x5a: {  	_ =	shalt  }
0x5b: {  	_ =	shalt  }
0x5c: {  	_ =	shalt  }
0x5d: {  	_ =	shalt  }
0x5e: {  	_ =	shalt  }
0x5f: {  	_ =	shalt  }
0x60: {  	_ =	shalt  }
0x61: {  	_ =	shalt  }
0x62: {  	_ =	shalt  }
0x63: {  	_ =	shalt  }
0x64: {  	_ =	shalt  }
0x65: {  	_ =	shalt  }
0x66: {  	_ =	shalt  }
0x67: {  	_ =	shalt  }
0x68: {  	_ =	shalt  }
0x69: {  	_ =	shalt  }
0x6a: {  	_ =	shalt  }
0x6b: {  	_ =	shalt  }
0x6c: {  	_ =	shalt  }
0x6d: {  	_ =	shalt  }
0x6e: {  	_ =	shalt  }
0x6f: {  	_ =	shalt  }
0x70: {  	_ =	shalt  }
0x71: {  	_ =	shalt  }
0x72: {  	_ =	shalt  }
0x73: {  	_ =	shalt  }
0x74: {  	_ =	shalt  }
0x75: {  	_ =	shalt  }
0x76: {  	_ =	shalt  }
0x77: {  	_ =	shalt  }
0x78: {  	_ =	shalt  }
0x79: {  	_ =	shalt  }
0x7a: {  	_ =	shalt  }
0x7b: {  	_ =	shalt  }
0x7c: {  	_ =	shalt  }
0x7d: {  	_ =	shalt  }
0x7e: {  	_ =	shalt  }
0x7f: {  	_ =	shalt  }
0x80: {  	_ =	shalt  }
0x81: {  	_ =	shalt  }
0x82: {  	_ =	shalt  }
0x83: {  	_ =	shalt  }
0x84: {  	_ =	shalt  }
0x85: {  	_ =	shalt  }
0x86: {  	_ =	shalt  }
0x87: {  	_ =	shalt  }
.Lfunc_end0:
.L_simem_size_0:
called_computation.1_lowered:
.L_overlay_start_0:
0x88: {  	s2 =	sld [smem:$0x3FD9]  }
0x89: {  	s3 =	sld [smem:$0x3FFE];
	_ =	sdelay $0x1  }
0x8a: {  	s1 =	srdreg.scid  }
0x8b: {  	s0 =	sand.u32 $0x1, s1  }
0x8c: {  	s17 =	sshll.u32 s0, $0xA;
	s2 =	sadd.s32 s3, s2  }
0x8d: {  	s2 =	sadd.s32 s2, s17  }
0x8e: {  	[smem:$0x3FC6] =	sst s2  }
0x8f: {  	_ = 	snop  }
0x90: {  	s18 =	sld [smem:$0x3FD0];
	(tm) =	ssettm $0x1  }
0x91: {  	s19 =	sld [smem:$0x3FFB];
	_ =	sdelay $0x3  }
0x92: {  	_ =	strace s19  }
0x93: {  	s2 =	sld [smem:$0x3FFC];
	_ =	sdelay $0x3  }
0x94: {  	_ =	strace s2  }
0x95: {  	s2 =	sld [smem:$0x3FFD];
	_ =	sdelay $0x3  }
0x96: {  	_ =	strace s2  }
0x97: {  	_ =	strace $0x8FFFFFFF  }
0x98: {  	s20 =	sld [smem:$0x3FDB];
	_ =	sdelay $0x1  }
0x99: {  	s4 =	simm.s32 $_scs_section_size  }
0x9a: {  	s5 =	simm.s32 $_size__tile_overlayer_lowered;
	s6 =	simm.s32 $_tile_overlayer_lowered  }
0x9b: {  	s7 =	simm.s32 $0x1BFF;
	s21 =	sshll.u32 s6, $0x1;
	s4 =	sadd.s32 s4, s20  }
0x9c: {  	s22 =	simm.s32 $0x0;
	s5 =	sshll.u32 s5, $0x1;
	s6 =	sadd.s32 s21, s4  }
0x9d: {  	[timem:s22], [sflag:s7] =	dma.local [hbm:s6], s5  }
0x9e: {  	_ =	swait.ge [sflag:s7], s5  }
0x9f: {  	s5 =	ssub.s32 $0x0, s5;
	[sflag:s7] =	ssyncset.done $0x0  }
0xa0: {  	[sflag:s7] =	ssyncadd.s32 s5;
	_ =	sdelay $0x1  }
0xa1: {  	s23 =	simm.s32 $0x1B8B  }
0xa2: {  	_ =	swait.ge [sflag:s23], $0x1  }
0xa3: {  	[sflag:s23] =	ssyncset.done $0x0  }
0xa4: {  	[sflag:s23] =	ssyncadd.s32 $0xFFFFFFFF  }
0xa5: {  	s5 =	sld [smem:$0x0]  }
0xa6: {  	s6 =	sand.u32 $0xFFFFFFFE, s1  }
0xa7: {  	p0 =	sne.s32 s1, s6  }
0xa8: {  	s6 =	sshll.u32 @p0 s6, $0xE  }
0xa9: {  	s6 =	sadd.s32 @p0 $0x11B8D, s6;
	s7 =	sshll.u32 @p0 s5, $0x11  }
0xaa: {  	s6 =	sor.u32 @p0 s7, s6  }
0xab: {  	[sflag:s6] =	ssyncadd.remote.s32 @p0 $0x1;
	_ =	sdelay $0x1  }
0xac: {  	s6 =	simm.s32 @p0 $0x1B8D  }
0xad: {  	_ =	swait.eq @p0 [sflag:s6], $0x1  }
0xae: {  	[sflag:s6] =	ssyncadd.s32 @p0 $0xFFFFFFFF  }
0xaf: {  	s7 =	sshll.u32 @!p0 s1, $0xE  }
0xb0: {  	s7 =	sor.u32 @!p0 $0x4000, s7;
	s6 =	simm.s32 @!p0 $0x1B8D  }
0xb1: {  	s5 =	sshll.u32 @!p0 s5, $0x11;
	s7 =	sadd.s32 @!p0 $0x11B8D, s7;
	_ =	swait.eq @!p0 [sflag:s6], $0x1  }
0xb2: {  	s5 =	sor.u32 @!p0 s5, s7;
	[sflag:s6] =	ssyncadd.s32 @!p0 $0xFFFFFFFF  }
0xb3: {  	s25 =	simm.s32 $0x1B8E;
	s24 =	sld [smem:$0x3FFE];
	[sflag:s5] =	ssyncadd.remote.s32 @!p0 $0x1  }
0xb4: {  	s26 =	simm.s32 $execute0_lowered;
	[smem:$0x3FD2] =	sst s25  }
0xb5: {  	s6 =	sshll.u32 s26, $0x1;
	_ =	strace $0x80000049;
	[dreg:$0x1] =	wrdreg $0xFFFFFFFF  }
0xb6: {  	s28 =	simm.s32 $_size_execute0_lowered;
	s4 =	sadd.s32 s4, s6;
	[dreg:$0x0] =	wrdreg $0x0  }
0xb7: {  	s6 =	sshll.u32 s28, $0x1;
	[dreg:$0x2] =	wrdreg s4  }
0xb8: {  	[dreg:$0x3] =	wrdreg s6  }
0xb9: {  	[dreg:$0x4] =	wrdreg $0xC0  }
0xba: {  	_ =	task [dreg:s22], $0x5FFFF  }
0xbb: {  	[dreg:$0x1] =	wrdreg $0xFFFFFFFF  }
0xbc: {  	[dreg:$0x0] =	wrdreg $0x60  }
0xbd: {  	[dreg:$0x2] =	wrdreg s24  }
0xbe: {  	[dreg:$0x3] =	wrdreg s18  }
0xbf: {  	[dreg:$0x4] =	wrdreg $0x9  }
0xc0: {  	_ =	task.clear_ibuf [dreg:s22], $0x5FFFF;
	_ =	strace $0x90000049  }
0xc1: {  	s29 =	simm.s32 $0x9;
	_ =	strace $0x8000004B  }
0xc2: {  	_ =	swait.ge [sflag:s29], $0x1  }
0xc3: {  	[sflag:s29] =	ssyncadd.s32 $0xFFFFFFFF  }
0xc4: {  	_ =	strace $0x9000004B  }
0xc5: {  	_ =	sfence  }
0xc6: {  	s30 =	sld [smem:$0x0];
	_ =	sdelay $0x2  }
0xc7: {  	s31 =	sshll.u32 s1, $0xD;
	s1 =	sshrl.u32 s1, $0x2  }
0xc8: {  	s4 =	sand.u32 $0x4000, s31;
	s1 =	sadd.s32 s1, s30  }
0xc9: {  	s0 =	sor.u32 s4, s0;
	s1 =	sshll.u32 s1, $0x11  }
0xca: {  	s0 =	sor.u32 s1, s0  }
0xcb: {  	s0 =	sadd.s32 $0x8F2B, s0  }
0xcc: {  	[sflag:s0] =	ssyncadd.remote.s32 $0x1  }
0xcd: {  	_ =	sfence.sel $0xFFFF  }
0xce: {  	[dreg:$0x0] =	wrdreg $0xFFFFFFFF;
	(pc) =	sbr.abs _section_cstart, $3  }
0xcf: {  	[dreg:$0x1] =	wrdreg $0xFFFFFFFF  }
0xd0: {  	_ =	task.clear_ibuf [dreg:s22], $0x2FFFF;
	_ =	strace $0x9FFFFFFF  }
0xd1: {  	(tm) =	ssettm $0x7FFFFFFF  }
tec
execute0_lowered:
.L_overlay_start_1:
0x0: {  	(tag) =	ssettag $0x1  }
0x1: {  	s4 =	rddreg [dreg:$0x0]  }
0x2: {  	s7 =	rddreg [dreg:$0x1];
	s3 =	srdreg.scid  }
0x3: {  	s1 =	stileid.u32;
	s2 =	simm.s32 $0x0;
	s12 =	simm.s32 $0x5A00  }
0x4: {  	s13 =	simm.s32 $0x100;
	s14 =	simm.s32 $0x9A00;
	s15 =	simm.s32 $0x180  }
0x5: {  	s16 =	simm.s32 $0xDA00;
	s17 =	simm.s32 $0x1;
	s18 =	simm.s32 $0x2  }
0x6: {  	s19 =	simm.s32 $0x4;
	s20 =	simm.s32 $0x5;
	s21 =	simm.s32 $0x6  }
0x7: {  	s22 =	simm.s32 $0x7;
	s23 =	simm.s32 $0x8;
	s11 =	smul.u32 $0x1A0000, s1  }
0x8: {  	s6 =	sand.u32 $0x1, s3;
	s24 =	sshll.u32 s1, $0x1;
	s30 =	smul.u32 $0x34000, s1  }
0x9: {  	[smem:$0x7FF] =	sst s2;
	s3 =	sadd.s32 $0x7800, s4;
	s29 =	smul.u32 $0xD0000, s6  }
0xa: {  	s5 =	sor.u32 s6, s24;
	s9 =	ssub.s32 $0x2, s6;
	s31 =	smul.u32 $0x1A000, s6  }
0xb: {  	_ =	strace $0x8000004A;
	s8 =	smul.u32 $0x1A00, s5;
	s26 =	sshrl.u32 s9, $0x1  }
0xc: {  	s24 =	simm.s32 $0x0;
	s10 =	smul.u32 $0x1A000, s5;
	s28 =	ssub.s32 s9, s26  }
.Ltmp0:
0xd: {  	s9 =	sadd.s32 s30, s7;
	s25 =	sshrl.u32 s8, $0x3;
	(pc) =	sbr.rel .LBB2_1-.Ltmp0, $4  }
0xe: {  	s5 =	smax.u32 s28, $0x1;
	s10 =	sadd.s32 s7, s10;
	s8 =	sadd.s32 s29, s11  }
0xf: {  	s11 =	simm.s32 $0x1A00;
	s4 =	sadd.s32 s25, s4;
	s6 =	sadd.s32 $0x19000, s10  }
0x10: {  	s8 =	sshrl.u32 s8, $0x3;
	s10 =	simm.s32 $0x80;
	s4 =	sadd.s32 $0x4CE200, s4  }
0x11: {  	s7 =	sadd.s32 s8, s7;
	s8 =	sadd.s32 s31, s9;
	s9 =	simm.s32 $0x9  }
.LBB2_4:
0x12: {  	_ =	swait.ge [sflag:s20], $0x4000  }
0x13: {  	[sflag:s20] =	ssyncset.done $0x0  }
0x14: {  	[sflag:s20] =	ssyncadd.s32 $0xFFFFC000  }
0x15: {  	_ =	swait.ge [sflag:s21], $0x4000  }
0x16: {  	[sflag:s21] =	ssyncset.done $0x0  }
0x17: {  	s24 =	sadd.s32 $0x1, s24;
	[sflag:s21] =	ssyncadd.s32 $0xFFFFC000  }
0x18: {  	p0 =	sne.s32 s24, s5;
	_ =	swait.ge [sflag:s22], $0x4000  }
.Ltmp1:
0x19: {  	[sflag:s22] =	ssyncset.done $0x0;
	(pc) =	sbr.rel @!p0 .LBB2_5-.Ltmp1, $4  }
0x1a: {  	[sflag:s22] =	ssyncadd.s32 $0xFFFFC000  }
0x1b: {  	_ =	swait.ge [sflag:s23], $0x4000  }
0x1c: {  	[sflag:s23] =	ssyncset.done $0x0  }
0x1d: {  	[sflag:s23] =	ssyncadd.s32 $0xFFFFC000  }
.LBB2_1:
0x1e: {  	[tilespmem:s2], [sflag:$0x9] =	stream.linear.gather [hbm4b:s4+s2], $0x1A00, $0x38;
	[tilespmem:$0x11A00] =	vst v63  }
0x1f: {  	_ =	swait.ge [sflag:s9], $0x1A00  }
0x20: {  	[sflag:s9] =	ssyncset.done $0x0  }
0x21: {  	[sflag:s9] =	ssyncadd.s32 $0xFFFFE600  }
0x22: {  	[tilespmem:s11], [sflag:$0x1] =	stream.indirect.gather [hbm4b:s3+s10], $0x80, s2, s10, $0xb8;
	[tilespmem:$0x11A00] =	vst v63  }
0x23: {  	_ = 	snop  }
0x24: {  	[tilespmem:s12], [sflag:$0x2] =	stream.indirect.gather [hbm4b:s3+s10], $0x80, s10, s10, $0xb8;
	[tilespmem:$0x11A00] =	vst v63  }
0x25: {  	_ = 	snop  }
0x26: {  	[tilespmem:s14], [sflag:$0x3] =	stream.indirect.gather [hbm4b:s3+s10], $0x80, s13, s10, $0xb8;
	[tilespmem:$0x11A00] =	vst v63  }
0x27: {  	s25 =	simm.s32 $0x200;
	s26 =	simm.s32 $0x0  }
0x28: {  	[tilespmem:s16], [sflag:$0x4] =	stream.indirect.gather [hbm4b:s3+s10], $0x80, s15, s10, $0xb8;
	[tilespmem:$0x11A00] =	vst v63  }
.LBB2_2:
0x29: {  	_ =	swait.ge [sflag:s17], $0x4000  }
0x2a: {  	[sflag:s17] =	ssyncset.done $0x0  }
0x2b: {  	s28 =	sadd.s32 s26, s7;
	p0 =	seq.s32 s26, $0x18000;
	[sflag:s17] =	ssyncadd.s32 $0xFFFFC000  }
0x2c: {  	[hbm4b:s28+s2] =	stream.linear.scatter [tilespmem:s11], [sflag:$0x5], $0x4000, $0x38;
	[tilespmem:$0x11A00] =	vst v63  }
0x2d: {  	s28 =	simm.s32 @!p0 $0x5  }
0x2e: {  	_ =	swait.ge @!p0 [sflag:s28], $0x4000  }
0x2f: {  	[sflag:s28] =	ssyncset.done @!p0 $0x0  }
0x30: {  	s29 =	simm.s32 @!p0 $0x1A00;
	[sflag:s28] =	ssyncadd.s32 @!p0 $0xFFFFC000;
	s28 =	simm.s32 @!p0 $0x80  }
0x31: {  	[tilespmem:s29], [sflag:$0x1] =	stream.indirect.gather @!p0 [hbm4b:s3+s28], $0x80, s25, s28, $0xb8;
	[tilespmem:$0x11A00] =	vst v63  }
0x32: {  	_ =	swait.ge [sflag:s18], $0x4000  }
0x33: {  	s29 =	sadd.s32 s26, s8;
	[sflag:s18] =	ssyncset.done $0x0  }
0x34: {  	s30 =	sadd.s32 $0x800, s29;
	[sflag:s18] =	ssyncadd.s32 $0xFFFFC000  }
0x35: {  	[hbm4b:s30+s2] =	stream.linear.scatter [tilespmem:s12], [sflag:$0x6], $0x4000, $0x38;
	[tilespmem:$0x11A00] =	vst v63  }
0x36: {  	s30 =	simm.s32 @p0 $0x3  }
0x37: {  	_ =	swait.ge @p0 [sflag:s30], $0x4000  }
0x38: {  	[sflag:s30] =	ssyncset.done @p0 $0x0  }
0x39: {  	s31 =	simm.s32 @p0 $0x9A00;
	[sflag:s30] =	ssyncadd.s32 @p0 $0xFFFFC000;
	s30 =	simm.s32 @p0 $0x0  }
0x3a: {  	[hbm4b:s6+s30] =	stream.linear.scatter @p0 [tilespmem:s31], [sflag:$0x7], $0x4000, $0x38;
	[tilespmem:$0x11A00] =	vst v63  }
0x3b: {  	s30 =	simm.s32 @!p0 $0x6  }
0x3c: {  	_ =	swait.ge @!p0 [sflag:s30], $0x4000  }
0x3d: {  	[sflag:s30] =	ssyncset.done @!p0 $0x0  }
0x3e: {  	s31 =	simm.s32 @!p0 $0x5A00;
	[sflag:s30] =	ssyncadd.s32 @!p0 $0xFFFFC000;
	s30 =	sadd.s32 @!p0 $0x80, s25  }
0x3f: {  	[tilespmem:s31], [sflag:$0x2] =	stream.indirect.gather @!p0 [hbm4b:s3+s28], $0x80, s30, s28, $0xb8;
	[tilespmem:$0x11A00] =	vst v63  }
0x40: {  	s30 =	simm.s32 @!p0 $0x3  }
0x41: {  	_ =	swait.ge @!p0 [sflag:s30], $0x4000  }
0x42: {  	[sflag:s30] =	ssyncset.done @!p0 $0x0  }
0x43: {  	[sflag:s30] =	ssyncadd.s32 @!p0 $0xFFFFC000;
	s30 =	sadd.s32 @!p0 s26, s8  }
0x44: {  	s0 =	simm.s32 @!p0 $0x9A00;
	s31 =	simm.s32 @!p0 $0x0;
	s30 =	sadd.s32 @!p0 $0x1000, s30  }
0x45: {  	[hbm4b:s30+s31] =	stream.linear.scatter @!p0 [tilespmem:s0], [sflag:$0x7], $0x4000, $0x38;
	[tilespmem:$0x11A00] =	vst v63  }
0x46: {  	s30 =	simm.s32 @!p0 $0x7  }
0x47: {  	_ =	swait.ge @!p0 [sflag:s30], $0x4000  }
0x48: {  	[sflag:s30] =	ssyncset.done @!p0 $0x0  }
0x49: {  	[sflag:s30] =	ssyncadd.s32 @!p0 $0xFFFFC000;
	s30 =	sadd.s32 @!p0 $0x100, s25  }
0x4a: {  	[tilespmem:s0], [sflag:$0x3] =	stream.indirect.gather @!p0 [hbm4b:s3+s28], $0x80, s30, s28, $0xb8;
	[tilespmem:$0x11A00] =	vst v63  }
.Ltmp2:
0x4b: {  	_ = 	snop;
	(pc) =	sbr.rel @p0 .LBB2_4-.Ltmp2, $4  }
0x4c: {  	_ =	swait.ge [sflag:s19], $0x4000  }
0x4d: {  	[sflag:s19] =	ssyncset.done $0x0  }
0x4e: {  	s31 =	sadd.s32 $0x1800, s29;
	[sflag:s19] =	ssyncadd.s32 $0xFFFFC000  }
0x4f: {  	[hbm4b:s31+s2] =	stream.linear.scatter [tilespmem:s16], [sflag:$0x8], $0x4000, $0x38;
	[tilespmem:$0x11A00] =	vst v63  }
.Ltmp3:
0x50: {  	(pc) =	sbr.rel .LBB2_2-.Ltmp3, $4  }
0x51: {  	_ =	swait.ge [sflag:s23], $0x4000  }
0x52: {  	s0 =	sadd.s32 $0x180, s25;
	[sflag:s23] =	ssyncset.done $0x0  }
0x53: {  	s26 =	sadd.s32 $0x2000, s26;
	s25 =	sadd.s32 $0x200, s25;
	[sflag:s23] =	ssyncadd.s32 $0xFFFFC000  }
0x54: {  	[tilespmem:s16], [sflag:$0x4] =	stream.indirect.gather [hbm4b:s3+s10], $0x80, s0, s10, $0xb8;
	[tilespmem:$0x11A00] =	vst v63  }
.LBB2_5:
0x55: {  	_ =	sfence.sel $0x180000  }
0x56: {  	[bflag:$0x0] =	sbarrier.arrive $0xFFFF  }
0x57: {  	_ =	strace $0x9000004A  }
0x58: {  	[bflag:$0x2] =	sbarrier.arrive $0xFFFF  }
0x59: {  	p0 =	sne.s32 s1, $0x0;
	s0 =	rddreg [dreg:$0x2]  }
0x5a: {  	s0 =	sadd.s32 @!p0 $0x100000, s0  }
0x5b: {  	[sflag:s0] =	ssyncadd.tile.s32 @!p0 $0x1;
	_ =	shalt  }
.Lfunc_end2:
_tile_overlayer_lowered:
.L_overlay_start_2:
0x5c: {  	(tag) =	ssettag $0x2  }
0x5d: {  	s0 =	rddreg [dreg:$0x0];
	s2 =	stileid.u32  }
0x5e: {  	s1 =	rddreg [dreg:$0x1];
	p0 =	sne.s32 s2, $0x0  }
0x5f: {  	s3 =	rddreg [dreg:$0x2];
	[bflag:$0x3] =	sbarrier.arrive $0xFFFF;
	s2 =	simm.s32 @!p0 $0x1C09  }
0x60: {  	[timem:s3], [sflag:s2] =	dma.local @!p0 [hbm:s0], s1  }
0x61: {  	s0 =	simm.s32 @!p0 $0x9  }
0x62: {  	_ =	swait.ge @!p0 [sflag:s0], s1  }
0x63: {  	s1 =	ssub.s32 @!p0 $0x0, s1;
	[sflag:s0] =	ssyncset.done @!p0 $0x0  }
0x64: {  	[sflag:s0] =	ssyncadd.s32 @!p0 s1  }
0x65: {  	[bflag:$0x3] =	sbarrier.arrive $0xFFFF  }
0x66: {  	_ =	shalt  }

// kernel: kernel.7.cloned.1.call-start
scs
__scs_entry_jumppad:
0x0: {  	(pc) =	sbr.rel $0x88, $3  }
0x1: {  	(tag) =	ssettag $0x0;
	lr =	simm.s32 $0x1  }
0x2: {  	[smem:$0x3F9F] =	sst lr;
	_ =	strace $0xD0000000  }
0x3: {  	_ = 	snop  }
0x4: {  	_ = 	snop  }
0x5: {  	_ = 	snop  }
0x6: {  	_ = 	snop  }
0x7: {  	_ = 	snop  }
__scs_overlays_trampoline_lowered:
0x8: {  	[smem:$0x3FAE] =	sst s0  }
0x9: {  	[smem:$0x3FAF] =	sst s1  }
0xa: {  	[smem:$0x3FB0] =	sst s2  }
0xb: {  	[smem:$0x3FB1] =	sst s3  }
0xc: {  	[smem:$0x3FB2] =	sst s4  }
0xd: {  	[smem:$0x3FB3] =	sst s5  }
0xe: {  	[smem:$0x3FB4] =	sst s6  }
0xf: {  	[smem:$0x3FB5] =	sst s7  }
0x10: {  	[smem:$0x3FB6] =	sst s8  }
0x11: {  	[smem:$0x3FB7] =	sst s9;
	s0 =	simm.s32 @!p0 $0x0  }
0x12: {  	s1 =	sld [smem:$0x3F9D];
	s0 =	simm.s32 @p0 $0x1  }
0x13: {  	[smem:$0x3FB8] =	sst s0;
	s0 =	simm.s32 @!p1 $0x0  }
0x14: {  	s2 =	sld [smem:$0x3F9C];
	s0 =	simm.s32 @p1 $0x1  }
0x15: {  	[smem:$0x3FB9] =	sst s0;
	s0 =	simm.s32 @!p2 $0x0  }
0x16: {  	s3 =	sld [smem:$0x3FDB];
	s0 =	simm.s32 @p2 $0x1  }
0x17: {  	s4 =	simm.s32 $0x1BF5;
	[smem:$0x3FBB] =	sst s0  }
0x18: {  	s0 =	sld [smem:$0x3F9E];
	_ =	swait.ge [sflag:s4], $0x0  }
0x19: {  	s7 =	sld [smem:$0x3F9F]  }
0x1a: {  	s8 =	sadd.s32 $0xFFFFE003, lr  }
0x1b: {  	s9 =	sadd.s32 $0xFFFFFEF7, lr;
	s5 =	simm.s32 $0xFFFFFFFF;
	p2 =	slt.u32 s8, $0xFFFFF086  }
0x1c: {  	p1 =	slt.u32 s9, $0xF7A;
	s5 =	simm.s32 @!p2 $0x0  }
0x1d: {  	s5 =	simm.s32 @p1 $0x1;
	p0 =	seq.s32 s7, s2  }
0x1e: {  	s7 =	smul.u32 @!p0 $0xF7A, s2;
	p2 =	seq.s32 @!p0 s5, $0x0  }
0x1f: {  	s9 =	smul.u32 $0xF7A, s1;
	s8 =	simm.s32 @!p0 $0x1BF5;
	p2 =	por !p2, p0  }
0x20: {  	[sflag:s8] =	ssyncset.s32 @!p0 $0xFFFFF086;
	s6 =	sadd.s32 @!p0 s3, s7;
	s7 =	simm.s32 @!p0 $0x108  }
0x21: {  	s3 =	sadd.s32 s3, s9;
	s6 =	sadd.s32 @!p0 $0x88, s6;
	s7 =	simm.s32 @p2 $0x1082  }
0x22: {  	[simem:s7], [sflag:s8] =	dma.local @!p0 [hbm:s6], $0xF7A  }
0x23: {  	s9 =	sor.u32 $0xD0000000, s2;
	s6 =	simm.s32 $0x108;
	_ =	swait.ge @!p0 [sflag:s8], $0x0  }
0x24: {  	s3 =	sadd.s32 $0x88, s3;
	s6 =	simm.s32 @!p1 $0x1082;
	[sflag:s4] =	ssyncset.s32 $0xFFFFF086  }
0x25: {  	[simem:s6], [sflag:s4] =	dma.local [hbm:s3], $0xF7A  }
0x26: {  	[smem:$0x3F9F] =	sst s1;
	(tag) =	ssettag s2;
	_ =	strace s9  }
0x27: {  	s1 =	sld [smem:$0x3FAF]  }
0x28: {  	s2 =	sld [smem:$0x3FB0]  }
0x29: {  	s4 =	sld [smem:$0x3FB2]  }
0x2a: {  	p0 =	seq.s32 s5, $0x0;
	s5 =	sld [smem:$0x3FB3]  }
0x2b: {  	s6 =	sld [smem:$0x3FB4]  }
0x2c: {  	s7 =	sld [smem:$0x3FB5]  }
0x2d: {  	s3 =	simm.s32 $0x108;
	s8 =	sld [smem:$0x3FB6]  }
0x2e: {  	s3 =	simm.s32 @!p0 $0x1082;
	s9 =	sld [smem:$0x3FB7]  }
0x2f: {  	lr =	sadd.s32 s0, s3;
	s0 =	sld [smem:$0x3FAE]  }
0x30: {  	s3 =	sld [smem:$0x3FB1]  }
0x31: {  	[smem:$0x3FBA] =	sst s10  }
0x32: {  	s10 =	sld [smem:$0x3FB8];
	_ =	sdelay $0x3  }
0x33: {  	p0 =	seq.s32 s10, $0x1;
	s10 =	sld [smem:$0x3FBA];
	_ =	sdelay $0x3  }
0x34: {  	[smem:$0x3FBA] =	sst s10  }
0x35: {  	s10 =	sld [smem:$0x3FB9];
	_ =	sdelay $0x3  }
0x36: {  	p1 =	seq.s32 s10, $0x1;
	s10 =	sld [smem:$0x3FBA];
	_ =	sdelay $0x3  }
0x37: {  	[smem:$0x3FBA] =	sst s10  }
0x38: {  	s10 =	sld [smem:$0x3FBB]  }
0x39: {  	_ = 	snop;
	(pc) =	sbr.ind lr, $3  }
0x3a: {  	_ = 	snop  }
0x3b: {  	_ = 	snop  }
0x3c: {  	p2 =	seq.s32 s10, $0x1;
	s10 =	sld [smem:$0x3FBA]  }
0x3d: {  	_ =	shalt  }
0x3e: {  	_ =	shalt  }
0x3f: {  	_ =	shalt  }
0x40: {  	_ =	shalt  }
0x41: {  	_ =	shalt  }
0x42: {  	_ =	shalt  }
0x43: {  	_ =	shalt  }
0x44: {  	_ =	shalt  }
0x45: {  	_ =	shalt  }
0x46: {  	_ =	shalt  }
0x47: {  	_ =	shalt  }
0x48: {  	_ =	shalt  }
0x49: {  	_ =	shalt  }
0x4a: {  	_ =	shalt  }
0x4b: {  	_ =	shalt  }
0x4c: {  	_ =	shalt  }
0x4d: {  	_ =	shalt  }
0x4e: {  	_ =	shalt  }
0x4f: {  	_ =	shalt  }
0x50: {  	_ =	shalt  }
0x51: {  	_ =	shalt  }
0x52: {  	_ =	shalt  }
0x53: {  	_ =	shalt  }
0x54: {  	_ =	shalt  }
0x55: {  	_ =	shalt  }
0x56: {  	_ =	shalt  }
0x57: {  	_ =	shalt  }
0x58: {  	_ =	shalt  }
0x59: {  	_ =	shalt  }
0x5a: {  	_ =	shalt  }
0x5b: {  	_ =	shalt  }
0x5c: {  	_ =	shalt  }
0x5d: {  	_ =	shalt  }
0x5e: {  	_ =	shalt  }
0x5f: {  	_ =	shalt  }
0x60: {  	_ =	shalt  }
0x61: {  	_ =	shalt  }
0x62: {  	_ =	shalt  }
0x63: {  	_ =	shalt  }
0x64: {  	_ =	shalt  }
0x65: {  	_ =	shalt  }
0x66: {  	_ =	shalt  }
0x67: {  	_ =	shalt  }
0x68: {  	_ =	shalt  }
0x69: {  	_ =	shalt  }
0x6a: {  	_ =	shalt  }
0x6b: {  	_ =	shalt  }
0x6c: {  	_ =	shalt  }
0x6d: {  	_ =	shalt  }
0x6e: {  	_ =	shalt  }
0x6f: {  	_ =	shalt  }
0x70: {  	_ =	shalt  }
0x71: {  	_ =	shalt  }
0x72: {  	_ =	shalt  }
0x73: {  	_ =	shalt  }
0x74: {  	_ =	shalt  }
0x75: {  	_ =	shalt  }
0x76: {  	_ =	shalt  }
0x77: {  	_ =	shalt  }
0x78: {  	_ =	shalt  }
0x79: {  	_ =	shalt  }
0x7a: {  	_ =	shalt  }
0x7b: {  	_ =	shalt  }
0x7c: {  	_ =	shalt  }
0x7d: {  	_ =	shalt  }
0x7e: {  	_ =	shalt  }
0x7f: {  	_ =	shalt  }
0x80: {  	_ =	shalt  }
0x81: {  	_ =	shalt  }
0x82: {  	_ =	shalt  }
0x83: {  	_ =	shalt  }
0x84: {  	_ =	shalt  }
0x85: {  	_ =	shalt  }
0x86: {  	_ =	shalt  }
0x87: {  	_ =	shalt  }
.Lfunc_end0:
.L_simem_size_0:
called_computation.2_lowered:
.L_overlay_start_0:
0x88: {  	s2 =	sld [smem:$0x3FD9]  }
0x89: {  	s3 =	sld [smem:$0x3FFE];
	_ =	sdelay $0x1  }
0x8a: {  	s1 =	srdreg.scid  }
0x8b: {  	s0 =	sand.u32 $0x1, s1  }
0x8c: {  	s16 =	sshll.u32 s0, $0xA;
	s2 =	sadd.s32 s3, s2  }
0x8d: {  	s2 =	sadd.s32 s2, s16  }
0x8e: {  	[smem:$0x3FC6] =	sst s2  }
0x8f: {  	_ = 	snop  }
0x90: {  	(tm) =	ssettm $0x1  }
0x91: {  	s17 =	sld [smem:$0x3FFB];
	_ =	sdelay $0x3  }
0x92: {  	_ =	strace s17  }
0x93: {  	s2 =	sld [smem:$0x3FFC];
	_ =	sdelay $0x3  }
0x94: {  	_ =	strace s2  }
0x95: {  	s2 =	sld [smem:$0x3FFD];
	_ =	sdelay $0x3  }
0x96: {  	_ =	strace s2  }
0x97: {  	_ =	strace $0x8FFFFFFF  }
0x98: {  	s18 =	sld [smem:$0x3FDB];
	_ =	sdelay $0x1  }
0x99: {  	s19 =	simm.s32 $_scs_section_size  }
0x9a: {  	s4 =	simm.s32 $_size__tile_overlayer_lowered;
	s5 =	simm.s32 $_tile_overlayer_lowered  }
0x9b: {  	s22 =	simm.s32 $0x1BFF;
	s21 =	sshll.u32 s5, $0x1;
	s2 =	sadd.s32 s19, s18  }
0x9c: {  	s6 =	simm.s32 $0x0;
	s20 =	sshll.u32 s4, $0x1;
	s4 =	sadd.s32 s21, s2  }
0x9d: {  	[timem:s6], [sflag:s22] =	dma.local [hbm:s4], s20  }
0x9e: {  	_ =	swait.ge [sflag:s22], s20  }
0x9f: {  	s3 =	ssub.s32 $0x0, s20;
	[sflag:s22] =	ssyncset.done $0x0  }
0xa0: {  	[sflag:s22] =	ssyncadd.s32 s3;
	_ =	sdelay $0x1  }
0xa1: {  	s23 =	simm.s32 $0x1B8B  }
0xa2: {  	_ =	swait.ge [sflag:s23], $0x1  }
0xa3: {  	[sflag:s23] =	ssyncset.done $0x0  }
0xa4: {  	s25 =	simm.s32 $0x1B8E;
	s24 =	sld [smem:$0x3FFE];
	[sflag:s23] =	ssyncadd.s32 $0xFFFFFFFF  }
0xa5: {  	s26 =	simm.s32 $execute0_lowered;
	[smem:$0x3FD2] =	sst s25  }
0xa6: {  	s4 =	sshll.u32 s26, $0x1;
	_ =	strace $0x80000046;
	[dreg:$0x1] =	wrdreg $0xFFFFFFFF  }
0xa7: {  	s28 =	simm.s32 $_size_execute0_lowered;
	s2 =	sadd.s32 s2, s4;
	[dreg:$0x0] =	wrdreg $0x0  }
0xa8: {  	s4 =	sshll.u32 s28, $0x1;
	[dreg:$0x2] =	wrdreg s2  }
0xa9: {  	[dreg:$0x3] =	wrdreg s4  }
0xaa: {  	[dreg:$0x4] =	wrdreg $0xC0  }
0xab: {  	_ =	task [dreg:s6], $0x5FFFF  }
0xac: {  	[dreg:$0x1] =	wrdreg $0xFFFFFFFF  }
0xad: {  	[dreg:$0x0] =	wrdreg $0x60  }
0xae: {  	[dreg:$0x2] =	wrdreg s24  }
0xaf: {  	[dreg:$0x3] =	wrdreg $0xA  }
0xb0: {  	_ =	task.clear_ibuf [dreg:s6], $0x4FFFF;
	_ =	strace $0x90000046  }
0xb1: {  	s29 =	simm.s32 $0xA;
	_ =	strace $0x80000048  }
0xb2: {  	_ =	swait.ge [sflag:s29], $0x1  }
0xb3: {  	[sflag:s29] =	ssyncadd.s32 $0xFFFFFFFF  }
0xb4: {  	_ =	strace $0x90000048  }
0xb5: {  	_ =	sfence  }
0xb6: {  	s30 =	sld [smem:$0x0];
	_ =	sdelay $0x2  }
0xb7: {  	s31 =	sshll.u32 s1, $0xD;
	s1 =	sshrl.u32 s1, $0x2  }
0xb8: {  	s3 =	sand.u32 $0x4000, s31;
	s1 =	sadd.s32 s1, s30  }
0xb9: {  	s0 =	sor.u32 s3, s0;
	s1 =	sshll.u32 s1, $0x11  }
0xba: {  	s0 =	sor.u32 s1, s0  }
0xbb: {  	s0 =	sadd.s32 $0x8F2B, s0  }
0xbc: {  	[sflag:s0] =	ssyncadd.remote.s32 $0x1  }
0xbd: {  	_ =	sfence.sel $0xFFFF  }
0xbe: {  	[dreg:$0x0] =	wrdreg $0xFFFFFFFF;
	(pc) =	sbr.abs _section_cstart, $3  }
0xbf: {  	[dreg:$0x1] =	wrdreg $0xFFFFFFFF  }
0xc0: {  	_ =	task.clear_ibuf [dreg:s6], $0x2FFFF;
	_ =	strace $0x9FFFFFFF  }
0xc1: {  	(tm) =	ssettm $0x7FFFFFFF  }
tec
execute0_lowered:
.L_overlay_start_1:
0x0: {  	(tag) =	ssettag $0x1  }
0x1: {  	s1 =	srdreg.scid  }
0x2: {  	s0 =	stileid.u32;
	s4 =	rddreg [dreg:$0x0]  }
0x3: {  	s2 =	simm.s32 $0x0;
	s12 =	simm.s32 $0x5A00;
	s13 =	simm.s32 $0x100  }
0x4: {  	s14 =	simm.s32 $0x9A00;
	s15 =	simm.s32 $0x180;
	s16 =	simm.s32 $0xDA00  }
0x5: {  	s17 =	simm.s32 $0x1;
	s18 =	simm.s32 $0x2;
	s19 =	simm.s32 $0x4  }
0x6: {  	s20 =	simm.s32 $0x5;
	s21 =	simm.s32 $0x6;
	s22 =	simm.s32 $0x7  }
0x7: {  	s23 =	simm.s32 $0x8;
	s6 =	sand.u32 $0x1, s1;
	s10 =	smul.u32 $0x1A0000, s0  }
0x8: {  	s3 =	sshll.u32 s0, $0x1;
	[smem:$0x7FF] =	sst s2;
	s29 =	smul.u32 $0x34000, s0  }
0x9: {  	s11 =	sadd.s32 $0x18E200, s4;
	s5 =	sor.u32 s6, s3;
	s28 =	smul.u32 $0xD0000, s6  }
0xa: {  	s24 =	simm.s32 $0x0;
	_ =	strace $0x80000047;
	s7 =	smul.u32 $0x1A00, s5  }
0xb: {  	s3 =	sadd.s32 $0x7800, s4;
	s8 =	ssub.s32 $0x2, s6;
	s9 =	smul.u32 $0x1A000, s5  }
0xc: {  	s30 =	smul.u32 $0x1A000, s6;
	s26 =	sshrl.u32 s8, $0x1;
	s31 =	sadd.s32 s29, s11  }
.Ltmp0:
0xd: {  	s7 =	sshrl.u32 s7, $0x3;
	s9 =	sadd.s32 s11, s9;
	(pc) =	sbr.rel .LBB2_1-.Ltmp0, $4  }
0xe: {  	s25 =	sadd.s32 s7, s4;
	s7 =	ssub.s32 s8, s26;
	s8 =	sadd.s32 s28, s10  }
0xf: {  	s6 =	sadd.s32 $0x19000, s9;
	s9 =	simm.s32 $0x9;
	s10 =	simm.s32 $0x80  }
0x10: {  	s4 =	sadd.s32 $0x1000, s25;
	s5 =	smax.u32 s7, $0x1;
	s8 =	sshrl.u32 s8, $0x3  }
0x11: {  	s7 =	sadd.s32 s8, s11;
	s8 =	sadd.s32 s30, s31;
	s11 =	simm.s32 $0x1A00  }
.LBB2_4:
0x12: {  	_ =	swait.ge [sflag:s20], $0x4000  }
0x13: {  	[sflag:s20] =	ssyncset.done $0x0  }
0x14: {  	[sflag:s20] =	ssyncadd.s32 $0xFFFFC000  }
0x15: {  	_ =	swait.ge [sflag:s21], $0x4000  }
0x16: {  	[sflag:s21] =	ssyncset.done $0x0  }
0x17: {  	s24 =	sadd.s32 $0x1, s24;
	[sflag:s21] =	ssyncadd.s32 $0xFFFFC000  }
0x18: {  	p0 =	sne.s32 s24, s5;
	_ =	swait.ge [sflag:s22], $0x4000  }
.Ltmp1:
0x19: {  	[sflag:s22] =	ssyncset.done $0x0;
	(pc) =	sbr.rel @!p0 .LBB2_5-.Ltmp1, $4  }
0x1a: {  	[sflag:s22] =	ssyncadd.s32 $0xFFFFC000  }
0x1b: {  	_ =	swait.ge [sflag:s23], $0x4000  }
0x1c: {  	[sflag:s23] =	ssyncset.done $0x0  }
0x1d: {  	[sflag:s23] =	ssyncadd.s32 $0xFFFFC000  }
.LBB2_1:
0x1e: {  	[tilespmem:s2], [sflag:$0x9] =	stream.linear.gather [hbm4b:s4+s2], $0x1A00, $0x38;
	[tilespmem:$0x11A00] =	vst v63  }
0x1f: {  	_ =	swait.ge [sflag:s9], $0x1A00  }
0x20: {  	[sflag:s9] =	ssyncset.done $0x0  }
0x21: {  	[sflag:s9] =	ssyncadd.s32 $0xFFFFE600  }
0x22: {  	[tilespmem:s11], [sflag:$0x1] =	stream.indirect.gather [hbm4b:s3+s10], $0x80, s2, s10, $0xb8;
	[tilespmem:$0x11A00] =	vst v63  }
0x23: {  	_ = 	snop  }
0x24: {  	[tilespmem:s12], [sflag:$0x2] =	stream.indirect.gather [hbm4b:s3+s10], $0x80, s10, s10, $0xb8;
	[tilespmem:$0x11A00] =	vst v63  }
0x25: {  	_ = 	snop  }
0x26: {  	[tilespmem:s14], [sflag:$0x3] =	stream.indirect.gather [hbm4b:s3+s10], $0x80, s13, s10, $0xb8;
	[tilespmem:$0x11A00] =	vst v63  }
0x27: {  	s25 =	simm.s32 $0x200;
	s26 =	simm.s32 $0x0  }
0x28: {  	[tilespmem:s16], [sflag:$0x4] =	stream.indirect.gather [hbm4b:s3+s10], $0x80, s15, s10, $0xb8;
	[tilespmem:$0x11A00] =	vst v63  }
.LBB2_2:
0x29: {  	_ =	swait.ge [sflag:s17], $0x4000  }
0x2a: {  	[sflag:s17] =	ssyncset.done $0x0  }
0x2b: {  	s28 =	sadd.s32 s26, s7;
	p0 =	seq.s32 s26, $0x18000;
	[sflag:s17] =	ssyncadd.s32 $0xFFFFC000  }
0x2c: {  	[hbm4b:s28+s2] =	stream.linear.scatter [tilespmem:s11], [sflag:$0x5], $0x4000, $0x38;
	[tilespmem:$0x11A00] =	vst v63  }
0x2d: {  	s28 =	simm.s32 @!p0 $0x5  }
0x2e: {  	_ =	swait.ge @!p0 [sflag:s28], $0x4000  }
0x2f: {  	[sflag:s28] =	ssyncset.done @!p0 $0x0  }
0x30: {  	s29 =	simm.s32 @!p0 $0x1A00;
	[sflag:s28] =	ssyncadd.s32 @!p0 $0xFFFFC000;
	s28 =	simm.s32 @!p0 $0x80  }
0x31: {  	[tilespmem:s29], [sflag:$0x1] =	stream.indirect.gather @!p0 [hbm4b:s3+s28], $0x80, s25, s28, $0xb8;
	[tilespmem:$0x11A00] =	vst v63  }
0x32: {  	_ =	swait.ge [sflag:s18], $0x4000  }
0x33: {  	s29 =	sadd.s32 s26, s8;
	[sflag:s18] =	ssyncset.done $0x0  }
0x34: {  	s30 =	sadd.s32 $0x800, s29;
	[sflag:s18] =	ssyncadd.s32 $0xFFFFC000  }
0x35: {  	[hbm4b:s30+s2] =	stream.linear.scatter [tilespmem:s12], [sflag:$0x6], $0x4000, $0x38;
	[tilespmem:$0x11A00] =	vst v63  }
0x36: {  	s30 =	simm.s32 @p0 $0x3  }
0x37: {  	_ =	swait.ge @p0 [sflag:s30], $0x4000  }
0x38: {  	[sflag:s30] =	ssyncset.done @p0 $0x0  }
0x39: {  	s31 =	simm.s32 @p0 $0x9A00;
	[sflag:s30] =	ssyncadd.s32 @p0 $0xFFFFC000;
	s30 =	simm.s32 @p0 $0x0  }
0x3a: {  	[hbm4b:s6+s30] =	stream.linear.scatter @p0 [tilespmem:s31], [sflag:$0x7], $0x4000, $0x38;
	[tilespmem:$0x11A00] =	vst v63  }
0x3b: {  	s30 =	simm.s32 @!p0 $0x6  }
0x3c: {  	_ =	swait.ge @!p0 [sflag:s30], $0x4000  }
0x3d: {  	[sflag:s30] =	ssyncset.done @!p0 $0x0  }
0x3e: {  	s31 =	simm.s32 @!p0 $0x5A00;
	[sflag:s30] =	ssyncadd.s32 @!p0 $0xFFFFC000;
	s30 =	sadd.s32 @!p0 $0x80, s25  }
0x3f: {  	[tilespmem:s31], [sflag:$0x2] =	stream.indirect.gather @!p0 [hbm4b:s3+s28], $0x80, s30, s28, $0xb8;
	[tilespmem:$0x11A00] =	vst v63  }
0x40: {  	s30 =	simm.s32 @!p0 $0x3  }
0x41: {  	_ =	swait.ge @!p0 [sflag:s30], $0x4000  }
0x42: {  	[sflag:s30] =	ssyncset.done @!p0 $0x0  }
0x43: {  	[sflag:s30] =	ssyncadd.s32 @!p0 $0xFFFFC000;
	s30 =	sadd.s32 @!p0 s26, s8  }
0x44: {  	s1 =	simm.s32 @!p0 $0x9A00;
	s31 =	simm.s32 @!p0 $0x0;
	s30 =	sadd.s32 @!p0 $0x1000, s30  }
0x45: {  	[hbm4b:s30+s31] =	stream.linear.scatter @!p0 [tilespmem:s1], [sflag:$0x7], $0x4000, $0x38;
	[tilespmem:$0x11A00] =	vst v63  }
0x46: {  	s30 =	simm.s32 @!p0 $0x7  }
0x47: {  	_ =	swait.ge @!p0 [sflag:s30], $0x4000  }
0x48: {  	[sflag:s30] =	ssyncset.done @!p0 $0x0  }
0x49: {  	[sflag:s30] =	ssyncadd.s32 @!p0 $0xFFFFC000;
	s30 =	sadd.s32 @!p0 $0x100, s25  }
0x4a: {  	[tilespmem:s1], [sflag:$0x3] =	stream.indirect.gather @!p0 [hbm4b:s3+s28], $0x80, s30, s28, $0xb8;
	[tilespmem:$0x11A00] =	vst v63  }
.Ltmp2:
0x4b: {  	_ = 	snop;
	(pc) =	sbr.rel @p0 .LBB2_4-.Ltmp2, $4  }
0x4c: {  	_ =	swait.ge [sflag:s19], $0x4000  }
0x4d: {  	[sflag:s19] =	ssyncset.done $0x0  }
0x4e: {  	s31 =	sadd.s32 $0x1800, s29;
	[sflag:s19] =	ssyncadd.s32 $0xFFFFC000  }
0x4f: {  	[hbm4b:s31+s2] =	stream.linear.scatter [tilespmem:s16], [sflag:$0x8], $0x4000, $0x38;
	[tilespmem:$0x11A00] =	vst v63  }
.Ltmp3:
0x50: {  	(pc) =	sbr.rel .LBB2_2-.Ltmp3, $4  }
0x51: {  	_ =	swait.ge [sflag:s23], $0x4000  }
0x52: {  	s1 =	sadd.s32 $0x180, s25;
	[sflag:s23] =	ssyncset.done $0x0  }
0x53: {  	s26 =	sadd.s32 $0x2000, s26;
	s25 =	sadd.s32 $0x200, s25;
	[sflag:s23] =	ssyncadd.s32 $0xFFFFC000  }
0x54: {  	[tilespmem:s16], [sflag:$0x4] =	stream.indirect.gather [hbm4b:s3+s10], $0x80, s1, s10, $0xb8;
	[tilespmem:$0x11A00] =	vst v63  }
.LBB2_5:
0x55: {  	_ =	sfence.sel $0x180000  }
0x56: {  	[bflag:$0x0] =	sbarrier.arrive $0xFFFF  }
0x57: {  	_ =	strace $0x90000047  }
0x58: {  	[bflag:$0x2] =	sbarrier.arrive $0xFFFF  }
0x59: {  	p0 =	sne.s32 s0, $0x0;
	s0 =	rddreg [dreg:$0x1]  }
0x5a: {  	s0 =	sadd.s32 @!p0 $0x100000, s0  }
0x5b: {  	[sflag:s0] =	ssyncadd.tile.s32 @!p0 $0x1;
	_ =	shalt  }
.Lfunc_end2:
_tile_overlayer_lowered:
.L_overlay_start_2:
0x5c: {  	(tag) =	ssettag $0x2  }
0x5d: {  	s0 =	rddreg [dreg:$0x0];
	s2 =	stileid.u32  }
0x5e: {  	s1 =	rddreg [dreg:$0x1];
	p0 =	sne.s32 s2, $0x0  }
0x5f: {  	s3 =	rddreg [dreg:$0x2];
	[bflag:$0x3] =	sbarrier.arrive $0xFFFF;
	s2 =	simm.s32 @!p0 $0x1C09  }
0x60: {  	[timem:s3], [sflag:s2] =	dma.local @!p0 [hbm:s0], s1  }
0x61: {  	s0 =	simm.s32 @!p0 $0x9  }
0x62: {  	_ =	swait.ge @!p0 [sflag:s0], s1  }
0x63: {  	s1 =	ssub.s32 @!p0 $0x0, s1;
	[sflag:s0] =	ssyncset.done @!p0 $0x0  }
0x64: {  	[sflag:s0] =	ssyncadd.s32 @!p0 s1  }
0x65: {  	[bflag:$0x3] =	sbarrier.arrive $0xFFFF  }
0x66: {  	_ =	shalt  }

// kernel: sparse-core-data-format-call.cloned.1.call-start
scs
called_computation_lowered:
.L_overlay_start_0:
0x0: {  	s2 =	sld [smem:$0x3FD9]  }
0x1: {  	s3 =	sld [smem:$0x3FFE];
	_ =	sdelay $0x1  }
0x2: {  	s1 =	srdreg.scid  }
0x3: {  	s0 =	sand.u32 $0x1, s1  }
0x4: {  	s18 =	sshll.u32 s0, $0xA;
	s2 =	sadd.s32 s3, s2  }
0x5: {  	s2 =	sadd.s32 s2, s18  }
0x6: {  	[smem:$0x3FC6] =	sst s2  }
0x7: {  	_ = 	snop  }
0x8: {  	s2 =	sld [smem:$0x3FD0];
	(tm) =	ssettm $0x1  }
0x9: {  	s19 =	sld [smem:$0x3FFB];
	_ =	sdelay $0x3  }
0xa: {  	_ =	strace s19  }
0xb: {  	s3 =	sld [smem:$0x3FFC];
	_ =	sdelay $0x3  }
0xc: {  	_ =	strace s3  }
0xd: {  	s3 =	sld [smem:$0x3FFD];
	_ =	sdelay $0x3  }
0xe: {  	_ =	strace s3  }
0xf: {  	_ =	strace $0x8FFFFFFF  }
0x10: {  	s20 =	sld [smem:$0x3FDB];
	_ =	sdelay $0x1  }
0x11: {  	s4 =	simm.s32 $_scs_section_size  }
0x12: {  	s5 =	simm.s32 $_size__tile_overlayer_lowered;
	s6 =	simm.s32 $_tile_overlayer_lowered  }
0x13: {  	s23 =	simm.s32 $0x1BFF;
	s22 =	sshll.u32 s6, $0x1;
	s3 =	sadd.s32 s4, s20  }
0x14: {  	s7 =	simm.s32 $0x0;
	s21 =	sshll.u32 s5, $0x1;
	s5 =	sadd.s32 s22, s3  }
0x15: {  	[timem:s7], [sflag:s23] =	dma.local [hbm:s5], s21  }
0x16: {  	_ =	swait.ge [sflag:s23], s21  }
0x17: {  	s4 =	ssub.s32 $0x0, s21;
	[sflag:s23] =	ssyncset.done $0x0  }
0x18: {  	[sflag:s23] =	ssyncadd.s32 s4;
	_ =	sdelay $0x1  }
0x19: {  	s24 =	simm.s32 $0x1B8B  }
0x1a: {  	_ =	swait.ge [sflag:s24], $0x1  }
0x1b: {  	[sflag:s24] =	ssyncset.done $0x0  }
0x1c: {  	s26 =	simm.s32 $0x1B8E;
	s25 =	sld [smem:$0x3FFE];
	[sflag:s24] =	ssyncadd.s32 $0xFFFFFFFF  }
0x1d: {  	s27 =	simm.s32 $execute0_lowered;
	[smem:$0x3FD2] =	sst s26  }
0x1e: {  	s5 =	sshll.u32 s27, $0x1;
	_ =	strace $0x8000004C;
	[dreg:$0x1] =	wrdreg $0xFFFFFFFF  }
0x1f: {  	s28 =	simm.s32 $_size_execute0_lowered;
	s3 =	sadd.s32 s3, s5;
	[dreg:$0x0] =	wrdreg $0x0  }
0x20: {  	s5 =	sshll.u32 s28, $0x1;
	[dreg:$0x2] =	wrdreg s3  }
0x21: {  	[dreg:$0x3] =	wrdreg s5  }
0x22: {  	[dreg:$0x4] =	wrdreg $0xC0  }
0x23: {  	_ =	task [dreg:s7], $0x5FFFF  }
0x24: {  	[dreg:$0x1] =	wrdreg $0xFFFFFFFF  }
0x25: {  	[dreg:$0x0] =	wrdreg $0x60  }
0x26: {  	[dreg:$0x2] =	wrdreg s25  }
0x27: {  	[dreg:$0x3] =	wrdreg s2  }
0x28: {  	[dreg:$0x4] =	wrdreg $0x9  }
0x29: {  	_ =	task.clear_ibuf [dreg:s7], $0x5FFFF;
	_ =	strace $0x9000004C  }
0x2a: {  	s29 =	simm.s32 $0x9;
	_ =	strace $0x8000004E  }
0x2b: {  	_ =	swait.ge [sflag:s29], $0x1  }
0x2c: {  	[sflag:s29] =	ssyncadd.s32 $0xFFFFFFFF  }
0x2d: {  	_ =	strace $0x9000004E  }
0x2e: {  	_ =	sfence  }
0x2f: {  	s30 =	sld [smem:$0x0];
	_ =	sdelay $0x2  }
0x30: {  	s31 =	sshll.u32 s1, $0xD;
	s1 =	sshrl.u32 s1, $0x2  }
0x31: {  	s3 =	sand.u32 $0x4000, s31;
	s1 =	sadd.s32 s1, s30  }
0x32: {  	s0 =	sor.u32 s3, s0;
	s1 =	sshll.u32 s1, $0x11  }
0x33: {  	s0 =	sor.u32 s1, s0  }
0x34: {  	s0 =	sadd.s32 $0x8F2B, s0  }
0x35: {  	[sflag:s0] =	ssyncadd.remote.s32 $0x1  }
0x36: {  	_ =	sfence.sel $0xFFFF  }
0x37: {  	[dreg:$0x0] =	wrdreg $0xFFFFFFFF;
	(pc) =	sbr.abs _section_cstart, $3  }
0x38: {  	[dreg:$0x1] =	wrdreg $0xFFFFFFFF  }
0x39: {  	_ =	task.clear_ibuf [dreg:s7], $0x2FFFF;
	_ =	strace $0x9FFFFFFF  }
0x3a: {  	(tm) =	ssettm $0x7FFFFFFF  }
0x3b: {  	_ =	shalt  }
tec
execute0_lowered:
.L_overlay_start_1:
0x0: {  	(tag) =	ssettag $0x1  }
0x1: {  	s0 =	srdreg.scid  }
0x2: {  	s1 =	sshll.u32 s0, $0x4  }
0x3: {  	s0 =	stileid.u32;
	s1 =	sand.u32 $0x10, s1  }
0x4: {  	s1 =	sor.u32 s0, s1  }
0x5: {  	s6 =	rddreg [dreg:$0x0];
	s4 =	simm.s32 $0x1;
	s2 =	sshll.u32 s1, $0x7  }
0x6: {  	s7 =	simm.s32 $0x2;
	s12 =	simm.s32 $0x0;
	s1 =	ssub.s32 $0x4000, s2  }
0x7: {  	s8 =	simm.s32 $0x20000;
	s13 =	simm.s32 $0x0;
	s3 =	sand.u32 $0xF80, s1  }
0x8: {  	s9 =	simm.s32 $0x0;
	s5 =	sshrl.u32 s1, $0xC;
	p0 =	sne.s32 s3, $0x0  }
.Ltmp0:
0x9: {  	s1 =	rddreg [dreg:$0x2];
	s4 =	simm.s32 @!p0 $0x0;
	(pc) =	sbr.rel .LBB1_1-.Ltmp0, $4  }
0xa: {  	s11 =	simm.s32 $0x0;
	s3 =	rddreg [dreg:$0x1];
	s5 =	sadd.s32 s4, s5  }
0xb: {  	_ =	strace $0x8000004D;
	s4 =	simm.s32 $0x1;
	s5 =	smul.u32 $0x1A, s5  }
0xc: {  	s6 =	sadd.s32 $0xB4E200, s6;
	s10 =	smov.u32 s2;
	[sflag:s4] =	ssyncpa.u1 $0x0  }
0xd: {  	p0 =	por $0x0, $0x0;
	[sflag:s7] =	ssyncpa.u1 $0x0;
	s7 =	sor.u32 $0x1, s5  }
.LBB1_4:
0xe: {  	s16 =	sshll.u32 s13, $0x3;
	s17 =	sand.u32 $0x78, s13  }
0xf: {  	s30 =	sand.u32 $0x1F800, s13;
	s12 =	sshll.u32 s12, $0x11;
	s16 =	sand.u32 $0x3C00, s16  }
0x10: {  	[tilespmem:s15+$0x810 ss:$0x81] =	vst.msk $0xffff, v2;
	s31 =	sand.u32 $0x7, s13;
	s16 =	sor.u32 s17, s16;
	s17 =	sadd.s32 s3, s30  }
0x11: {  	[tilespmem:s15+$0x1020 ss:$0x81] =	vst.msk $0xffff, v0;
	s13 =	sshll.u32 s31, $0x12;
	s12 =	sadd.s32 s12, s17;
	s16 =	sshrl.u32 s16, $0x3  }
0x12: {  	[tilespmem:s15+$0x0 ss:$0x81] =	vst.msk $0xffff, v1;
	s13 =	sor.u32 $0x400, s13;
	s12 =	sadd.s32 s16, s12  }
0x13: {  	[hbm4b:s12+s13] =	stream.strided.scatter [tilespmem:s14], [sflag:$0x2], $0x2000, s8, s13, $0x20;
	[tilespmem:$0x8080] =	vst v63  }
.LBB1_5:
0x14: {  	s14 =	sadd.s32 $0x1, s9  }
0x15: {  	s12 =	sadd.s32 $0x1000, s10;
	s16 =	smov.u32 s10;
	p2 =	sgt.s32 s14, $0x19  }
0x16: {  	s16 =	smov.u32 @p2 s12  }
0x17: {  	s14 =	simm.s32 @p2 $0x0;
	p2 =	sgt.s32 s16, $0x3FFF  }
0x18: {  	s16 =	smov.u32 @p2 s2;
	p2 =	sne.s32 s11, s7  }
.Ltmp1:
0x19: {  	p1 =	slt.u32 s11, $0x2;
	(pc) =	sbr.rel @!p2 .LBB1_6-.Ltmp1, $4  }
0x1a: {  	s15 =	simm.s32 @!p1 $0x2  }
0x1b: {  	s13 =	smov.u32 s10;
	p0 =	por !p0, !p0;
	_ =	swait.ge @!p1 [sflag:s15], $0x2000  }
0x1c: {  	s12 =	smov.u32 s9;
	[sflag:s15] =	ssyncset.done @!p1 $0x0;
	s9 =	smov.u32 s14  }
0x1d: {  	s11 =	sadd.s32 $0x1, s11;
	[sflag:s15] =	ssyncadd.s32 @!p1 $0xFFFFE000;
	s10 =	smov.u32 s16  }
.LBB1_1:
0x1e: {  	p1 =	sge.u32 s11, s5  }
0x1f: {  	s31 =	sadd.s32 $0xFFFFFFFF, s11;
	s14 =	sxor.u32 @!p1 $0xFFFFFFFF, s11  }
0x20: {  	s15 =	sshll.u32 @!p1 s10, $0x9;
	s16 =	sshll.u32 @!p1 s9, $0x4;
	s17 =	simm.s32 @!p1 $0x1000  }
0x21: {  	s14 =	sshll.u32 @!p1 s14, $0xD;
	s16 =	sand.u32 @!p1 $0x1F0, s16;
	s15 =	sadd.s32 @!p1 s6, s15  }
0x22: {  	s14 =	sand.u32 @!p1 $0x2000, s14;
	s15 =	sadd.s32 @!p1 s16, s15;
	s16 =	simm.s32 @!p1 $0x40  }
0x23: {  	[tilespmem:s14], [sflag:$0x1] =	stream.strided.gather @!p1 [hbm4b:s15+s16], $0x2000, s17, s16, $0x38;
	[tilespmem:$0x8080] =	vst v63  }
0x24: {  	p1 =	sge.u32 s31, s5  }
.Ltmp2:
0x25: {  	_ = 	snop;
	(pc) =	sbr.rel @p1 .LBB1_5-.Ltmp2, $1  }
0x26: {  	_ =	sdelay $0x3  }
0x27: {  	s14 =	simm.s32 $0x1  }
0x28: {  	_ =	swait.ge [sflag:s4], $0x2000;
	s14 =	simm.s32 @!p0 $0x0  }
0x29: {  	[sflag:s4] =	ssyncset.done $0x0;
	s15 =	sshll.u32 s14, $0xD  }
0x2a: {  	[sflag:s4] =	ssyncadd.s32 $0xFFFFE000;
	s18 =	sor.u32 $0x20, s15  }
0x2b: {  	s14 =	smul.u32 $0x8100, s14;
	v3 =	vld [tilespmem:s18+$0x10]  }
0x2c: {  	s30 =	sand.u32 $0x1, s11;
	v2 =	vld [tilespmem:s18+$0xFFFFFFF0]  }
0x2d: {  	s15 =	smul.u32 $0x8100, s30;
	s14 =	sshrl.u32 s14, $0x2;
	v0 =	vld [tilespmem:s18+$0x0]  }
0x2e: {  	v1 =	vld [tilespmem:s18+$0xFFFFFFE0];
	s16 =	sor.u32 $0x4000, s14  }
0x2f: {  	s31 =	sshrl.u32 s15, $0x2;
	s15 =	sadd.s32 $0x0, s16  }
0x30: {  	s17 =	simm.s32 $0x4;
	s18 =	sadd.s32 $0x40, s18;
	s14 =	sor.u32 $0x4000, s31;
	[tilespmem:s15+$0x1830 ss:$0x81] =	vst.msk $0xffff, v3  }
.LBB1_3:
0x31: {  	v3 =	vld [tilespmem:s18+$0x10];
	p1 =	sne.s32 s17, $0x1FC;
	[tilespmem:s15+$0x810 ss:$0x81] =	vst.msk $0xffff, v2;
	s19 =	smov.u32 s17;
	s17 =	sadd.s32 $0x4, s17  }
.Ltmp3:
0x32: {  	v2 =	vld [tilespmem:s18+$0xFFFFFFF0];
	[tilespmem:s15+$0x1020 ss:$0x81] =	vst.msk $0xffff, v0;
	(pc) =	sbr.rel @p1 .LBB1_3-.Ltmp3, $4  }
0x33: {  	v0 =	vld [tilespmem:s18+$0x0];
	[tilespmem:s15+$0x0 ss:$0x81] =	vst.msk $0xffff, v1  }
0x34: {  	s15 =	sshra.s32 s19, $0x2;
	v1 =	vld [tilespmem:s18+$0xFFFFFFE0]  }
0x35: {  	s15 =	sadd.s32 s15, s16  }
0x36: {  	s18 =	sadd.s32 $0x40, s18;
	[tilespmem:s15+$0x1830 ss:$0x81] =	vst.msk $0xffff, v3  }
.Ltmp4:
0x37: {  	_ = 	snop;
	(pc) =	sbr.rel .LBB1_4-.Ltmp4, $1  }
0x38: {  	_ =	sdelay $0x3  }
.LBB1_6:
0x39: {  	_ =	sfence.sel $0x180000  }
0x3a: {  	s2 =	simm.s32 $0x1;
	[bflag:$0x0] =	sbarrier.arrive $0xFFFF  }
0x3b: {  	s31 =	simm.s32 $0x2;
	[sflag:s2] =	ssyncpa.u1 $0x1  }
0x3c: {  	[sflag:s31] =	ssyncpa.u1 $0x1  }
0x3d: {  	p0 =	sne.s32 s0, $0x0;
	_ =	strace $0x9000004D  }
0x3e: {  	s0 =	sadd.s32 @!p0 $0x100000, s1;
	[bflag:$0x2] =	sbarrier.arrive $0xFFFF  }
0x3f: {  	[sflag:s0] =	ssyncadd.tile.s32 @!p0 $0x1;
	_ =	shalt  }
.Lfunc_end1:
_tile_overlayer_lowered:
.L_overlay_start_2:
0x40: {  	(tag) =	ssettag $0x2  }
0x41: {  	s0 =	rddreg [dreg:$0x0];
	s2 =	stileid.u32  }
0x42: {  	s1 =	rddreg [dreg:$0x1];
	p0 =	sne.s32 s2, $0x0  }
0x43: {  	s3 =	rddreg [dreg:$0x2];
	[bflag:$0x3] =	sbarrier.arrive $0xFFFF;
	s2 =	simm.s32 @!p0 $0x1C01  }
0x44: {  	[timem:s3], [sflag:s2] =	dma.local @!p0 [hbm:s0], s1  }
0x45: {  	s0 =	simm.s32 @!p0 $0x1  }
0x46: {  	_ =	swait.ge @!p0 [sflag:s0], s1  }
0x47: {  	s1 =	ssub.s32 @!p0 $0x0, s1;
	[sflag:s0] =	ssyncset.done @!p0 $0x0  }
0x48: {  	[sflag:s0] =	ssyncadd.s32 @!p0 s1  }
0x49: {  	[bflag:$0x3] =	sbarrier.arrive $0xFFFF  }
0x4a: {  	_ =	shalt  }

</sc_bundles>
